<compile_context>
chip_gen: v7x
topology: tpu7x:2x2x1
jax: 0.10.2.dev20260603
libtpu: 0.0.44.dev20260713+nightly
codegen_flags: <defaults>
</compile_context>

<pallas_src>
import functools

import jax
import jax.numpy as jnp
from jax import lax
from jax.experimental import pallas as pl
from jax.experimental.pallas import tpu as pltpu
from jax.experimental.pallas import tpu_sc as plsc

_TOPK = 5
_NC, _NS = 2, 16
_LANES = 16



def _lstm_body(ts_ref, wih_ref, whh_ref, bias_ref, wqt_ref, q_ref, xp_ref):
    L, B, F = ts_ref.shape
    H = whh_ref.shape[0]
    xp_ref[...] = jnp.dot(ts_ref[...].reshape(L * B, F), wih_ref[...],
                          preferred_element_type=jnp.float32)

    def sig(x):
        return 1.0 / (1.0 + jnp.exp(-x))

    def step(t, carry):
        h, c = carry
        gates = (xp_ref[pl.ds(t * B, B), :]
                 + jnp.dot(h, whh_ref[...], preferred_element_type=jnp.float32)
                 + bias_ref[...])
        i_g = gates[:, 0 * H:1 * H]
        f_g = gates[:, 1 * H:2 * H]
        g_g = gates[:, 2 * H:3 * H]
        o_g = gates[:, 3 * H:4 * H]
        c2 = sig(f_g) * c + sig(i_g) * jnp.tanh(g_g)
        h2 = sig(o_g) * jnp.tanh(c2)
        return (h2, c2)

    init = (jnp.zeros((B, H), jnp.float32), jnp.zeros((B, H), jnp.float32))
    h, _ = lax.fori_loop(0, L, step, init)
    q_ref[...] = jnp.dot(h, wqt_ref[...], preferred_element_type=jnp.float32)



def _attn_body(inv_scale, raw_ref, w_ref, q_ref, out_ref):
    mL, F, nL = raw_ref.shape[1], raw_ref.shape[2], raw_ref.shape[3]
    slab = raw_ref[0].reshape(mL * F, nL)
    keys = jnp.dot(w_ref[...], slab, preferred_element_type=jnp.float32)
    out_ref[0] = jnp.dot(q_ref[0, 0], keys,
                         preferred_element_type=jnp.float32) * inv_scale



def _sc_topk_body(n_scores, n_leaders, m_lags, attn_hbm, idx_hbm, sco_hbm,
                  abuf, lbuf, gbuf, sbuf):
    wid = lax.axis_index("c") * _NS + lax.axis_index("s")
    pltpu.sync_copy(attn_hbm.at[wid], abuf)

    lane = lax.iota(jnp.int32, _LANES)
    lane_m = lane * m_lags
    neg = jnp.full((_LANES,), -jnp.inf, jnp.float32)
    zero_i = jnp.zeros((_LANES,), jnp.int32)
    cpl = n_leaders // _LANES

    def step(i, carry):
        cv, ci = carry
        v = abuf[pl.ds(i * _LANES, _LANES)]
        t = lax.rem(i, cpl) * (_LANES * m_lags) + lax.div(i, cpl)
        iv = lane_m + t
        nv, ni = plsc.sort_key_val(v, iv, descending=True)
        take = cv >= nv
        tv = jnp.where(take, cv, nv)
        ti = jnp.where(take, ci, ni)
        return tuple(plsc.sort_key_val(tv, ti, descending=False))

    cv, ci = lax.fori_loop(0, n_scores // _LANES, step, (neg, zero_i))
    dv = lax.rev(cv, (0,))
    di = lax.rev(ci, (0,))

    mask5 = lane < _TOPK
    m = jnp.max(dv)
    e = jnp.where(mask5, jnp.exp(dv - m), 0.0)
    s = jnp.sum(e)
    svec = jnp.full((_LANES,), 1.0, jnp.float32) * s
    sc16 = e / svec

    sbuf[...] = sc16
    lbuf[...] = lax.div(di, m_lags)
    gbuf[...] = lax.rem(di, m_lags)
    pltpu.sync_copy(lbuf, idx_hbm.at[wid, 0])
    pltpu.sync_copy(gbuf, idx_hbm.at[wid, 1])
    pltpu.sync_copy(sbuf, sco_hbm.at[wid])


def _sc_topk_call(attn_lin, N, nL, mL, B):
    mesh = plsc.VectorSubcoreMesh(core_axis_name="c", subcore_axis_name="s",
                                  num_cores=_NC, num_subcores=_NS)
    sc_fn = pl.kernel(
        functools.partial(_sc_topk_body, N, nL, mL),
        out_type=[
            jax.ShapeDtypeStruct((B, 2, _LANES), jnp.int32),
            jax.ShapeDtypeStruct((B, _LANES), jnp.float32),
        ],
        mesh=mesh,
        compiler_params=pltpu.CompilerParams(needs_layout_passes=False,
                                             use_tc_tiling_on_sc=False),
        scratch_types=[
            pltpu.VMEM((N,), jnp.float32),
            pltpu.VMEM((_LANES,), jnp.int32),
            pltpu.VMEM((_LANES,), jnp.int32),
            pltpu.VMEM((_LANES,), jnp.float32),
        ],
    )
    return sc_fn(attn_lin)



def _head_body(sel_ref, sco_ref, r0_ref, r1_ref, r2_ref, r3_ref, r4_ref,
               p1_ref, b1_ref, p2_ref, b2_ref, p3_ref, b3_ref, pred_ref):
    b = pl.program_id(0)
    F = r0_ref.shape[1]
    iot = lax.broadcasted_iota(jnp.int32, (F, 128), 1)
    acc = None
    for k, rref in enumerate((r0_ref, r1_ref, r2_ref, r3_ref, r4_ref)):
        roff = lax.rem(sel_ref[b, 0, k], 128)
        col = jnp.sum(jnp.where(iot == roff, rref[0], 0.0), axis=1,
                      keepdims=True)
        contrib = col * sco_ref[b, k]
        acc = contrib if k == 0 else acc + contrib
    h1 = jnp.maximum(
        jnp.dot(p1_ref[...], acc, preferred_element_type=jnp.float32)
        + b1_ref[...], 0.0)
    h2 = jnp.maximum(
        jnp.dot(p2_ref[...], h1, preferred_element_type=jnp.float32)
        + b2_ref[...], 0.0)
    pred_ref[0] = (jnp.dot(p3_ref[...], h2,
                           preferred_element_type=jnp.float32) + b3_ref[...])


def kernel(target_seq, leader_raw_features, W_ih, W_hh, b_ih, b_hh, W_Q, W_K,
           P1_w, P1_b, P2_w, P2_b, P3_w, P3_b):
    B, L, F = target_seq.shape
    _, nL, mL, _ = leader_raw_features.shape
    H = W_hh.shape[1]
    N = nL * mL
    inv_scale = 1.0 / (H ** 0.5)

    ts_t = jnp.swapaxes(target_seq, 0, 1)
    bias = (b_ih + b_hh).reshape(1, 4 * H)
    q = pl.pallas_call(
        _lstm_body,
        out_shape=jax.ShapeDtypeStruct((B, H), jnp.float32),
        scratch_shapes=[pltpu.VMEM((L * B, 4 * H), jnp.float32)],
    )(ts_t, W_ih.T, W_hh.T, bias, W_Q.T)

    rawT = jnp.transpose(leader_raw_features, (0, 2, 3, 1))
    eye = jnp.eye(mL, dtype=jnp.float32)
    wbd = jnp.kron(eye, W_K)
    qbd = (eye[None, :, :, None] * q[:, None, None, :]).reshape(B, 1, mL, mL * F)
    attnT = pl.pallas_call(
        functools.partial(_attn_body, inv_scale),
        grid=(B,),
        in_specs=[
            pl.BlockSpec((1, mL, F, nL), lambda b: (b, 0, 0, 0)),
            pl.BlockSpec((mL * F, mL * F), lambda b: (0, 0)),
            pl.BlockSpec((1, 1, mL, mL * F), lambda b: (b, 0, 0, 0)),
        ],
        out_specs=pl.BlockSpec((1, mL, nL), lambda b: (b, 0, 0)),
        out_shape=jax.ShapeDtypeStruct((B, mL, nL), jnp.float32),
    )(rawT, wbd, qbd.reshape(B, 1, mL, mL * F))
    attn = jnp.transpose(attnT, (0, 2, 1))

    attn_lin = attnT.reshape(B, N)
    idxo, sco = _sc_topk_call(attn_lin, N, nL, mL, B)

    rawT2 = rawT.reshape(B, mL * F, nL)

    def _col_spec(k):
        return pl.BlockSpec(
            (1, F, 128),
            lambda b, sel, sco, _k=k: (b, sel[b, 1, _k], sel[b, 0, _k] // 128))

    grid_spec = pltpu.PrefetchScalarGridSpec(
        num_scalar_prefetch=2,
        grid=(B,),
        in_specs=[_col_spec(k) for k in range(_TOPK)] + [
            pl.BlockSpec((F, F), lambda b, sel, sco: (0, 0)),
            pl.BlockSpec((F, 1), lambda b, sel, sco: (0, 0)),
            pl.BlockSpec((H // 2, F), lambda b, sel, sco: (0, 0)),
            pl.BlockSpec((H // 2, 1), lambda b, sel, sco: (0, 0)),
            pl.BlockSpec((1, H // 2), lambda b, sel, sco: (0, 0)),
            pl.BlockSpec((1, 1), lambda b, sel, sco: (0, 0)),
        ],
        out_specs=pl.BlockSpec((1, 1, 1), lambda b, sel, sco: (b, 0, 0)),
    )
    pred3 = pl.pallas_call(
        _head_body,
        grid_spec=grid_spec,
        out_shape=jax.ShapeDtypeStruct((B, 1, 1), jnp.float32),
    )(idxo, sco, rawT2, rawT2, rawT2, rawT2, rawT2, P1_w, P1_b.reshape(F, 1),
      P2_w, P2_b.reshape(H // 2, 1), P3_w, P3_b.reshape(1, 1))

    pred = pred3.reshape(B, 1)
    top_k_indices = jnp.stack([idxo[:, 0, :_TOPK], idxo[:, 1, :_TOPK]], axis=-1)
    top_k_scores = sco[:, :_TOPK]
    return (pred, top_k_indices, top_k_scores, attn)

# --- scband reference (transcript-rebuilt; emitter-appended) ---
"""Pipeline reference for scband-delta-lag-model-45801531244604 (READ-ONLY COPY).

The authoritative reference and input builder live on the scoring server;
editing this copy changes nothing except your own understanding.
"""

import jax, jax.numpy as jnp
import numpy as np

TOP_K = 5

def setup_inputs(seed: int = 0) -> dict:
    key = jax.random.key(seed)
    ks = jax.random.split(key, 14)
    B, L, F = 32, 50, 64
    nL, mL = 2000, 10
    H = 64
    def w(k, shape, fan):
        return (jax.random.normal(k, shape, dtype=jnp.float32) * (1.0 / np.sqrt(fan))).astype(jnp.float32)
    return {
        'target_seq': jax.random.normal(ks[0], (B, L, F), dtype=jnp.float32),
        'leader_raw_features': jax.random.normal(ks[1], (B, nL, mL, F), dtype=jnp.float32),
        'W_ih': w(ks[2], (4 * H, F), F),
        'W_hh': w(ks[3], (4 * H, H), H),
        'b_ih': jnp.zeros((4 * H,), dtype=jnp.float32),
        'b_hh': jnp.zeros((4 * H,), dtype=jnp.float32),
        'W_Q': w(ks[4], (H, H), H),
        'W_K': w(ks[5], (H, F), F),
        'P1_w': w(ks[6], (H, F), F),
        'P1_b': jnp.zeros((H,), dtype=jnp.float32),
        'P2_w': w(ks[7], (H // 2, H), H),
        'P2_b': jnp.zeros((H // 2,), dtype=jnp.float32),
        'P3_w': w(ks[8], (1, H // 2), H // 2),
        'P3_b': jnp.zeros((1,), dtype=jnp.float32),
    }

def reference(target_seq, leader_raw_features, W_ih, W_hh, b_ih, b_hh, W_Q, W_K, P1_w, P1_b, P2_w, P2_b, P3_w, P3_b):
    B = target_seq.shape[0]
    H = W_hh.shape[1]
    nL = leader_raw_features.shape[1]
    mL = leader_raw_features.shape[2]
    Fdim = leader_raw_features.shape[-1]
    scale = H ** 0.5

    def step(carry, xt):
        h, c = carry
        gates = xt @ W_ih.T + h @ W_hh.T + b_ih + b_hh
        i, f, g, o = jnp.split(gates, 4, axis=-1)
        c = jax.nn.sigmoid(f) * c + jax.nn.sigmoid(i) * jnp.tanh(g)
        h = jax.nn.sigmoid(o) * jnp.tanh(c)
        return (h, c), None

    init = (jnp.zeros((B, H), dtype=target_seq.dtype), jnp.zeros((B, H), dtype=target_seq.dtype))
    (h_last, _), _ = jax.lax.scan(step, init, jnp.swapaxes(target_seq, 0, 1))

    query = h_last @ W_Q.T                      # [B, H]
    keys = leader_raw_features @ W_K.T          # [B, nL, mL, H]
    attn = jnp.einsum('bh,bnlh->bnl', query, keys) / scale
    flat_attn = attn.reshape(B, -1)
    k = min(TOP_K, flat_attn.shape[1])
    top_values, top_flat_idx = jax.lax.top_k(flat_attn, k)
    leader_indices = top_flat_idx // mL
    lag_indices = top_flat_idx % mL
    top_k_indices = jnp.stack([leader_indices, lag_indices], axis=-1)
    top_k_scores = jax.nn.softmax(top_values, axis=1)
    raw_flat = leader_raw_features.reshape(B, nL * mL, Fdim)
    idx = jnp.broadcast_to(top_flat_idx[:, :, None], (B, k, Fdim))
    selected = jnp.take_along_axis(raw_flat, idx, axis=1)
    weighted = (selected * top_k_scores[:, :, None]).sum(axis=1)
    h1 = jax.nn.relu(weighted @ P1_w.T + P1_b)
    h2 = jax.nn.relu(h1 @ P2_w.T + P2_b)
    pred = h2 @ P3_w.T + P3_b
    return (pred, top_k_indices, top_k_scores, attn)

if __name__ == "__main__":
    import jax
    _d = setup_inputs()
    print(jax.jit(kernel)(*tuple(_d.values())))

</pallas_src>

<mosaic_0001>
#map = affine_map<(d0, d1) -> (0, 0)>
#map1 = affine_map<(d0, d1) -> (0, 0, 0)>
module attributes {stable_mosaic.version = 14 : i64} {
  func.func @_sc_topk_body(%arg0: i32, %arg1: i32, %arg2: memref<32x20000xf32, #tpu.memory_space<hbm>>, %arg3: memref<32x2x16xi32, #tpu.memory_space<hbm>>, %arg4: memref<32x16xf32, #tpu.memory_space<hbm>>, %arg5: memref<20000xf32, #tpu.memory_space<vmem>>, %arg6: memref<16xi32, #tpu.memory_space<vmem>>, %arg7: memref<16xi32, #tpu.memory_space<vmem>>, %arg8: memref<16xf32, #tpu.memory_space<vmem>>) attributes {dimension_semantics = [#tpu.dimension_semantics<core_parallel>, #tpu.dimension_semantics<subcore_parallel>], iteration_bounds = array<i64: 2, 16>, scalar_prefetch = 0 : i64, scratch_operands = 4 : i64, tpu.core_type = #tpu.core_type<sc_vector_subcore>, window_params = [{transform_indices = #map}, {transform_indices = #map1}, {transform_indices = #map}]} {
    %mul3A = arith.constant 16 : i32
    %mul3A_0 = arith.muli %arg0, %mul3A : i32
    %add3A = arith.addi %mul3A_0, %arg1 : i32
    "tpu.region"() ({
      %run_scoped3A_46 = tpu.sem_alloc : memref<!tpu.dma_semaphore, #tpu.memory_space<semaphore_mem>>
      %dma_start3A = arith.constant 0 : i32
      %dma_start3A_47 = tpu.memref_slice %arg2[%add3A, %dma_start3A] : memref<32x20000xf32, #tpu.memory_space<hbm>> -> memref<1x20000xf32, #tpu.memory_space<hbm>>
      %dma_start3A_48 = tpu.memref_squeeze %dma_start3A_47 : memref<1x20000xf32, #tpu.memory_space<hbm>> -> memref<20000xf32, #tpu.memory_space<hbm>>
      %dma_start3A_49 = arith.constant 0 : i32
      %dma_start3A_50 = tpu.memref_slice %arg2[%add3A, %dma_start3A_49] : memref<32x20000xf32, #tpu.memory_space<hbm>> -> memref<1x20000xf32, #tpu.memory_space<hbm>>
      %dma_start3A_51 = tpu.memref_squeeze %dma_start3A_50 : memref<1x20000xf32, #tpu.memory_space<hbm>> -> memref<20000xf32, #tpu.memory_space<hbm>>
      tpu.enqueue_dma source(%dma_start3A_51 : memref<20000xf32, #tpu.memory_space<hbm>>) target(%arg5 : memref<20000xf32, #tpu.memory_space<vmem>>) target_semaphore(%run_scoped3A_46 : memref<!tpu.dma_semaphore, #tpu.memory_space<semaphore_mem>>)
      %dma_wait3A = arith.constant 0 : i32
      %dma_wait3A_52 = tpu.memref_slice %arg2[%add3A, %dma_wait3A] : memref<32x20000xf32, #tpu.memory_space<hbm>> -> memref<1x20000xf32, #tpu.memory_space<hbm>>
      %dma_wait3A_53 = tpu.memref_squeeze %dma_wait3A_52 : memref<1x20000xf32, #tpu.memory_space<hbm>> -> memref<20000xf32, #tpu.memory_space<hbm>>
      %dma_wait3A_54 = arith.constant 0 : i32
      %dma_wait3A_55 = tpu.memref_slice %arg2[%add3A, %dma_wait3A_54] : memref<32x20000xf32, #tpu.memory_space<hbm>> -> memref<1x20000xf32, #tpu.memory_space<hbm>>
      %dma_wait3A_56 = tpu.memref_squeeze %dma_wait3A_55 : memref<1x20000xf32, #tpu.memory_space<hbm>> -> memref<20000xf32, #tpu.memory_space<hbm>>
      tpu.wait_dma2 semaphore(%run_scoped3A_46 : memref<!tpu.dma_semaphore, #tpu.memory_space<semaphore_mem>>) src(%dma_wait3A_56 : memref<20000xf32, #tpu.memory_space<hbm>>) dst(%arg5 : memref<20000xf32, #tpu.memory_space<vmem>>)
      tpu.yield
    }) : () -> ()
    %iota3A = tpu.iota {dimensions = array<i32: 0>} : vector<16xi32>
    %mul3A_1 = arith.constant 10 : i32
    %mul3A_2 = vector.broadcast %mul3A_1 : i32 to vector<16xi32>
    %mul3A_3 = arith.muli %iota3A, %mul3A_2 : vector<16xi32>
    %broadcast_in_dim3A = arith.constant 0xFF800000 : f32
    %broadcast_in_dim3A_4 = vector.broadcast %broadcast_in_dim3A : f32 to vector<16xf32>
    %broadcast_in_dim3A_5 = arith.constant 0 : i32
    %broadcast_in_dim3A_6 = vector.broadcast %broadcast_in_dim3A_5 : i32 to vector<16xi32>
    %scan3A = arith.constant 0 : i32
    %scan3A_7 = arith.constant 1250 : i32
    %scan3A_8 = arith.addi %scan3A, %scan3A_7 : i32
    %scan3A_9 = arith.constant 1 : i32
    %scan3A_10:2 = scf.for %scan3A_46 = %scan3A to %scan3A_8 step %scan3A_9 iter_args(%scan3A_47 = %broadcast_in_dim3A_4, %scan3A_48 = %broadcast_in_dim3A_6) -> (vector<16xf32>, vector<16xi32>)  : i32 {
      %mul3A_49 = arith.constant 16 : i32
      %mul3A_50 = arith.muli %scan3A_46, %mul3A_49 : i32
      %get3A = arith.index_cast %mul3A_50 : i32 to index
      %get3A_51 = tpu.vector_load %arg5[%get3A] {strides = array<i32>} : memref<20000xf32, #tpu.memory_space<vmem>>, vector<16xf32>,
      %rem3A_52 = arith.constant 125 : i32
      %rem3A_53 = arith.remsi %scan3A_46, %rem3A_52 : i32
      %mul3A_54 = arith.constant 160 : i32
      %mul3A_55 = arith.muli %rem3A_53, %mul3A_54 : i32
      %div3A_56 = arith.constant 125 : i32
      %div3A_57 = arith.divsi %scan3A_46, %div3A_56 : i32
      %add3A_58 = arith.addi %mul3A_55, %div3A_57 : i32
      %add3A_59 = vector.broadcast %add3A_58 : i32 to vector<16xi32>
      %add3A_60 = arith.addi %mul3A_3, %add3A_59 : vector<16xi32>
      %masked_sort3A = arith.constant dense<true> : vector<16xi1>
      %masked_sort3A_61, %masked_sort3A_62, %masked_sort3A_63 = tpu.sort %get3A_51, %add3A_60 masked %masked_sort3A {descending = true} : (vector<16xf32>, vector<16xi32>, vector<16xi1>) -> (vector<16xi1>, vector<16xf32>, vector<16xi32>)
      %ge3A = arith.cmpf oge, %scan3A_47, %masked_sort3A_62 : vector<16xf32>
      %select_n3A_64 = arith.select %ge3A, %scan3A_47, %masked_sort3A_62 : vector<16xi1>, vector<16xf32>
      %select_n3A_65 = arith.select %ge3A, %scan3A_48, %masked_sort3A_63 : vector<16xi1>, vector<16xi32>
      %masked_sort3A_66 = arith.constant dense<true> : vector<16xi1>
      %masked_sort3A_67, %masked_sort3A_68, %masked_sort3A_69 = tpu.sort %select_n3A_64, %select_n3A_65 masked %masked_sort3A_66 : (vector<16xf32>, vector<16xi32>, vector<16xi1>) -> (vector<16xi1>, vector<16xf32>, vector<16xi32>)
      scf.yield %masked_sort3A_68, %masked_sort3A_69 : vector<16xf32>, vector<16xi32>
    }
    %scan3A_11 = arith.constant 1250 : i32
    %rev3A = arith.constant 15 : i32
    %rev3A_12 = vector.broadcast %rev3A : i32 to vector<16xi32>
    %rev3A_13 = tpu.iota {dimensions = array<i32: 0>} : vector<16xi32>
    %rev3A_14 = arith.subi %rev3A_12, %rev3A_13 : vector<16xi32>
    %rev3A_15 = tpu.dynamic_gather %scan3A_10#0[%rev3A_14] in [0] : vector<16xf32>, vector<16xi32> -> vector<16xf32>
    %rev3A_16 = arith.constant 15 : i32
    %rev3A_17 = vector.broadcast %rev3A_16 : i32 to vector<16xi32>
    %rev3A_18 = tpu.iota {dimensions = array<i32: 0>} : vector<16xi32>
    %rev3A_19 = arith.subi %rev3A_17, %rev3A_18 : vector<16xi32>
    %rev3A_20 = tpu.dynamic_gather %scan3A_10#1[%rev3A_19] in [0] : vector<16xi32>, vector<16xi32> -> vector<16xi32>
    %lt3A = arith.constant 5 : i32
    %lt3A_21 = vector.broadcast %lt3A : i32 to vector<16xi32>
    %lt3A_22 = arith.cmpi slt, %iota3A, %lt3A_21 : vector<16xi32>
    %reduce_max3A = arith.constant true
    %reduce_max3A_23 = vector.broadcast %reduce_max3A : i1 to vector<16xi1>
    %reduce_max3A_24 = tpu.scan <max>, %rev3A_15 masked %reduce_max3A_23 : vector<16xf32>, vector<16xi1> -> vector<16xf32>
    %reduce_max3A_25 = vector.extract %reduce_max3A_24[15] : f32 from vector<16xf32>
    %sub3A = vector.broadcast %reduce_max3A_25 : f32 to vector<16xf32>
    %sub3A_26 = arith.subf %rev3A_15, %sub3A : vector<16xf32>
    %exp3A = math.exp %sub3A_26 : vector<16xf32>
    %jit3A = arith.constant 0.000000e+00 : f32
    %broadcast_in_dim3A_27 = vector.broadcast %jit3A : f32 to vector<16xf32>
    %select_n3A = arith.select %lt3A_22, %exp3A, %broadcast_in_dim3A_27 : vector<16xi1>, vector<16xf32>
    %reduce_sum3A = arith.constant true
    %reduce_sum3A_28 = vector.broadcast %reduce_sum3A : i1 to vector<16xi1>
    %reduce_sum3A_29 = tpu.scan <sum>, %select_n3A masked %reduce_sum3A_28 : vector<16xf32>, vector<16xi1> -> vector<16xf32>
    %reduce_sum3A_30 = vector.extract %reduce_sum3A_29[15] : f32 from vector<16xf32>
    %broadcast_in_dim3A_31 = arith.constant 1.000000e+00 : f32
    %broadcast_in_dim3A_32 = vector.broadcast %broadcast_in_dim3A_31 : f32 to vector<16xf32>
    %mul3A_33 = vector.broadcast %reduce_sum3A_30 : f32 to vector<16xf32>
    %mul3A_34 = arith.mulf %broadcast_in_dim3A_32, %mul3A_33 : vector<16xf32>
    %div3A = arith.divf %select_n3A, %mul3A_34 : vector<16xf32>
    %swap3A = arith.constant 0 : index
    %swap3A_35 = tpu.vector_load %arg8[%swap3A] {strides = array<i32>} : memref<16xf32, #tpu.memory_space<vmem>>, vector<16xf32>,
    tpu.vector_store %arg8[%swap3A], %div3A {strides = array<i32>} : memref<16xf32, #tpu.memory_space<vmem>>, vector<16xf32>,
    %div3A_36 = arith.constant 10 : i32
    %div3A_37 = vector.broadcast %div3A_36 : i32 to vector<16xi32>
    %div3A_38 = arith.divsi %rev3A_20, %div3A_37 : vector<16xi32>
    %swap3A_39 = arith.constant 0 : index
    %swap3A_40 = tpu.vector_load %arg6[%swap3A_39] {strides = array<i32>} : memref<16xi32, #tpu.memory_space<vmem>>, vector<16xi32>,
    tpu.vector_store %arg6[%swap3A_39], %div3A_38 {strides = array<i32>} : memref<16xi32, #tpu.memory_space<vmem>>, vector<16xi32>,
    %rem3A = arith.constant 10 : i32
    %rem3A_41 = vector.broadcast %rem3A : i32 to vector<16xi32>
    %rem3A_42 = arith.remsi %rev3A_20, %rem3A_41 : vector<16xi32>
    %swap3A_43 = arith.constant 0 : index
    %swap3A_44 = tpu.vector_load %arg7[%swap3A_43] {strides = array<i32>} : memref<16xi32, #tpu.memory_space<vmem>>, vector<16xi32>,
    tpu.vector_store %arg7[%swap3A_43], %rem3A_42 {strides = array<i32>} : memref<16xi32, #tpu.memory_space<vmem>>, vector<16xi32>,
    %run_scoped3A = arith.constant 0 : i32
    "tpu.region"() ({
      %run_scoped3A_46 = tpu.sem_alloc : memref<!tpu.dma_semaphore, #tpu.memory_space<semaphore_mem>>
      %dma_start3A = arith.constant 0 : i32
      %dma_start3A_47 = tpu.memref_slice %arg3[%add3A, %run_scoped3A, %dma_start3A] : memref<32x2x16xi32, #tpu.memory_space<hbm>> -> memref<1x1x16xi32, #tpu.memory_space<hbm>>
      %dma_start3A_48 = tpu.memref_squeeze %dma_start3A_47 : memref<1x1x16xi32, #tpu.memory_space<hbm>> -> memref<16xi32, #tpu.memory_space<hbm>>
      %dma_start3A_49 = arith.constant 0 : i32
      %dma_start3A_50 = tpu.memref_slice %arg3[%add3A, %run_scoped3A, %dma_start3A_49] : memref<32x2x16xi32, #tpu.memory_space<hbm>> -> memref<1x1x16xi32, #tpu.memory_space<hbm>>
      %dma_start3A_51 = tpu.memref_squeeze %dma_start3A_50 : memref<1x1x16xi32, #tpu.memory_space<hbm>> -> memref<16xi32, #tpu.memory_space<hbm>>
      tpu.enqueue_dma source(%arg6 : memref<16xi32, #tpu.memory_space<vmem>>) target(%dma_start3A_51 : memref<16xi32, #tpu.memory_space<hbm>>) target_semaphore(%run_scoped3A_46 : memref<!tpu.dma_semaphore, #tpu.memory_space<semaphore_mem>>)
      %dma_wait3A = arith.constant 0 : i32
      %dma_wait3A_52 = tpu.memref_slice %arg3[%add3A, %run_scoped3A, %dma_wait3A] : memref<32x2x16xi32, #tpu.memory_space<hbm>> -> memref<1x1x16xi32, #tpu.memory_space<hbm>>
      %dma_wait3A_53 = tpu.memref_squeeze %dma_wait3A_52 : memref<1x1x16xi32, #tpu.memory_space<hbm>> -> memref<16xi32, #tpu.memory_space<hbm>>
      %dma_wait3A_54 = arith.constant 0 : i32
      %dma_wait3A_55 = tpu.memref_slice %arg3[%add3A, %run_scoped3A, %dma_wait3A_54] : memref<32x2x16xi32, #tpu.memory_space<hbm>> -> memref<1x1x16xi32, #tpu.memory_space<hbm>>
      %dma_wait3A_56 = tpu.memref_squeeze %dma_wait3A_55 : memref<1x1x16xi32, #tpu.memory_space<hbm>> -> memref<16xi32, #tpu.memory_space<hbm>>
      tpu.wait_dma2 semaphore(%run_scoped3A_46 : memref<!tpu.dma_semaphore, #tpu.memory_space<semaphore_mem>>) src(%arg6 : memref<16xi32, #tpu.memory_space<vmem>>) dst(%dma_wait3A_56 : memref<16xi32, #tpu.memory_space<hbm>>)
      tpu.yield
    }) : () -> ()
    %run_scoped3A_45 = arith.constant 1 : i32
    "tpu.region"() ({
      %run_scoped3A_46 = tpu.sem_alloc : memref<!tpu.dma_semaphore, #tpu.memory_space<semaphore_mem>>
      %dma_start3A = arith.constant 0 : i32
      %dma_start3A_47 = tpu.memref_slice %arg3[%add3A, %run_scoped3A_45, %dma_start3A] : memref<32x2x16xi32, #tpu.memory_space<hbm>> -> memref<1x1x16xi32, #tpu.memory_space<hbm>>
      %dma_start3A_48 = tpu.memref_squeeze %dma_start3A_47 : memref<1x1x16xi32, #tpu.memory_space<hbm>> -> memref<16xi32, #tpu.memory_space<hbm>>
      %dma_start3A_49 = arith.constant 0 : i32
      %dma_start3A_50 = tpu.memref_slice %arg3[%add3A, %run_scoped3A_45, %dma_start3A_49] : memref<32x2x16xi32, #tpu.memory_space<hbm>> -> memref<1x1x16xi32, #tpu.memory_space<hbm>>
      %dma_start3A_51 = tpu.memref_squeeze %dma_start3A_50 : memref<1x1x16xi32, #tpu.memory_space<hbm>> -> memref<16xi32, #tpu.memory_space<hbm>>
      tpu.enqueue_dma source(%arg7 : memref<16xi32, #tpu.memory_space<vmem>>) target(%dma_start3A_51 : memref<16xi32, #tpu.memory_space<hbm>>) target_semaphore(%run_scoped3A_46 : memref<!tpu.dma_semaphore, #tpu.memory_space<semaphore_mem>>)
      %dma_wait3A = arith.constant 0 : i32
      %dma_wait3A_52 = tpu.memref_slice %arg3[%add3A, %run_scoped3A_45, %dma_wait3A] : memref<32x2x16xi32, #tpu.memory_space<hbm>> -> memref<1x1x16xi32, #tpu.memory_space<hbm>>
      %dma_wait3A_53 = tpu.memref_squeeze %dma_wait3A_52 : memref<1x1x16xi32, #tpu.memory_space<hbm>> -> memref<16xi32, #tpu.memory_space<hbm>>
      %dma_wait3A_54 = arith.constant 0 : i32
      %dma_wait3A_55 = tpu.memref_slice %arg3[%add3A, %run_scoped3A_45, %dma_wait3A_54] : memref<32x2x16xi32, #tpu.memory_space<hbm>> -> memref<1x1x16xi32, #tpu.memory_space<hbm>>
      %dma_wait3A_56 = tpu.memref_squeeze %dma_wait3A_55 : memref<1x1x16xi32, #tpu.memory_space<hbm>> -> memref<16xi32, #tpu.memory_space<hbm>>
      tpu.wait_dma2 semaphore(%run_scoped3A_46 : memref<!tpu.dma_semaphore, #tpu.memory_space<semaphore_mem>>) src(%arg7 : memref<16xi32, #tpu.memory_space<vmem>>) dst(%dma_wait3A_56 : memref<16xi32, #tpu.memory_space<hbm>>)
      tpu.yield
    }) : () -> ()
    "tpu.region"() ({
      %run_scoped3A_46 = tpu.sem_alloc : memref<!tpu.dma_semaphore, #tpu.memory_space<semaphore_mem>>
      %dma_start3A = arith.constant 0 : i32
      %dma_start3A_47 = tpu.memref_slice %arg4[%add3A, %dma_start3A] : memref<32x16xf32, #tpu.memory_space<hbm>> -> memref<1x16xf32, #tpu.memory_space<hbm>>
      %dma_start3A_48 = tpu.memref_squeeze %dma_start3A_47 : memref<1x16xf32, #tpu.memory_space<hbm>> -> memref<16xf32, #tpu.memory_space<hbm>>
      %dma_start3A_49 = arith.constant 0 : i32
      %dma_start3A_50 = tpu.memref_slice %arg4[%add3A, %dma_start3A_49] : memref<32x16xf32, #tpu.memory_space<hbm>> -> memref<1x16xf32, #tpu.memory_space<hbm>>
      %dma_start3A_51 = tpu.memref_squeeze %dma_start3A_50 : memref<1x16xf32, #tpu.memory_space<hbm>> -> memref<16xf32, #tpu.memory_space<hbm>>
      tpu.enqueue_dma source(%arg8 : memref<16xf32, #tpu.memory_space<vmem>>) target(%dma_start3A_51 : memref<16xf32, #tpu.memory_space<hbm>>) target_semaphore(%run_scoped3A_46 : memref<!tpu.dma_semaphore, #tpu.memory_space<semaphore_mem>>)
      %dma_wait3A = arith.constant 0 : i32
      %dma_wait3A_52 = tpu.memref_slice %arg4[%add3A, %dma_wait3A] : memref<32x16xf32, #tpu.memory_space<hbm>> -> memref<1x16xf32, #tpu.memory_space<hbm>>
      %dma_wait3A_53 = tpu.memref_squeeze %dma_wait3A_52 : memref<1x16xf32, #tpu.memory_space<hbm>> -> memref<16xf32, #tpu.memory_space<hbm>>
      %dma_wait3A_54 = arith.constant 0 : i32
      %dma_wait3A_55 = tpu.memref_slice %arg4[%add3A, %dma_wait3A_54] : memref<32x16xf32, #tpu.memory_space<hbm>> -> memref<1x16xf32, #tpu.memory_space<hbm>>
      %dma_wait3A_56 = tpu.memref_squeeze %dma_wait3A_55 : memref<1x16xf32, #tpu.memory_space<hbm>> -> memref<16xf32, #tpu.memory_space<hbm>>
      tpu.wait_dma2 semaphore(%run_scoped3A_46 : memref<!tpu.dma_semaphore, #tpu.memory_space<semaphore_mem>>) src(%arg8 : memref<16xf32, #tpu.memory_space<vmem>>) dst(%dma_wait3A_56 : memref<16xf32, #tpu.memory_space<hbm>>)
      tpu.yield
    }) : () -> ()
    return
  }
}

module attributes {stable_mosaic.version = 14 : i64} {
  func.func @_lstm_body(%arg0: memref<50x32x64xf32, #tpu.memory_space<vmem>>, %arg1: memref<64x256xf32, #tpu.memory_space<vmem>>, %arg2: memref<64x256xf32, #tpu.memory_space<vmem>>, %arg3: memref<1x256xf32, #tpu.memory_space<vmem>>, %arg4: memref<64x64xf32, #tpu.memory_space<vmem>>, %arg5: memref<32x64xf32, #tpu.memory_space<vmem>>, %arg6: memref<1600x256xf32, #tpu.memory_space<vmem>>) attributes {dimension_semantics = [], scalar_prefetch = 0 : i64, scratch_operands = 1 : i64, tpu.core_type = #tpu.core_type<tc>} {
    %get3A = arith.constant 0 : index
    %get3A_0 = arith.constant 0 : index
    %get3A_1 = arith.constant 0 : index
    %get3A_2 = vector.load %arg0[%get3A, %get3A_0, %get3A_1] : memref<50x32x64xf32, #tpu.memory_space<vmem>>, vector<50x32x64xf32>
    %reshape3A = vector.shape_cast %get3A_2 : vector<50x32x64xf32> to vector<1600x64xf32>
    %get3A_3 = arith.constant 0 : index
    %get3A_4 = arith.constant 0 : index
    %get3A_5 = vector.load %arg1[%get3A_3, %get3A_4] : memref<64x256xf32, #tpu.memory_space<vmem>>, vector<64x256xf32>
    %dot_general3A = arith.constant dense<0.000000e+00> : vector<1600x256xf32>
    %dot_general3A_6 = tpu.matmul %reshape3A, %get3A_5, %dot_general3A {dimension_numbers = #tpu.dot_dimension_numbers<[1], [0], [0], [1], [0, 0, 1, 1], [], []>, transpose_lhs_hint = false} : vector<1600x64xf32>, vector<64x256xf32>, vector<1600x256xf32> -> vector<1600x256xf32>
    %swap3A = arith.constant 0 : index
    %swap3A_7 = arith.constant 0 : index
    %swap3A_8 = vector.load %arg6[%swap3A, %swap3A_7] : memref<1600x256xf32, #tpu.memory_space<vmem>>, vector<1600x256xf32>
    tpu.vector_store %arg6[%swap3A, %swap3A_7], %dot_general3A_6 {strides = array<i32>} : memref<1600x256xf32, #tpu.memory_space<vmem>>, vector<1600x256xf32>,
    %broadcast_in_dim3A = arith.constant 0.000000e+00 : f32
    %broadcast_in_dim3A_9 = vector.broadcast %broadcast_in_dim3A : f32 to vector<32x64xf32>
    %broadcast_in_dim3A_10 = arith.constant 0.000000e+00 : f32
    %broadcast_in_dim3A_11 = vector.broadcast %broadcast_in_dim3A_10 : f32 to vector<32x64xf32>
    %scan3A = arith.constant 0 : i32
    %scan3A_12 = arith.constant 50 : i32
    %scan3A_13 = arith.addi %scan3A, %scan3A_12 : i32
    %scan3A_14 = arith.constant 1 : i32
    %scan3A_15:2 = scf.for %scan3A_25 = %scan3A to %scan3A_13 step %scan3A_14 iter_args(%scan3A_26 = %broadcast_in_dim3A_9, %scan3A_27 = %broadcast_in_dim3A_11) -> (vector<32x64xf32>, vector<32x64xf32>)  : i32 {
      %mul3A = arith.constant 32 : i32
      %mul3A_28 = arith.muli %scan3A_25, %mul3A : i32
      %get3A_29 = arith.index_cast %mul3A_28 : i32 to index
      %get3A_30 = arith.constant 0 : index
      %get3A_31 = vector.load %arg6[%get3A_29, %get3A_30] : memref<1600x256xf32, #tpu.memory_space<vmem>>, vector<32x256xf32>
      %get3A_32 = arith.constant 0 : index
      %get3A_33 = arith.constant 0 : index
      %get3A_34 = vector.load %arg2[%get3A_32, %get3A_33] : memref<64x256xf32, #tpu.memory_space<vmem>>, vector<64x256xf32>
      %dot_general3A_35 = arith.constant dense<0.000000e+00> : vector<32x256xf32>
      %dot_general3A_36 = tpu.matmul %scan3A_26, %get3A_34, %dot_general3A_35 {dimension_numbers = #tpu.dot_dimension_numbers<[1], [0], [0], [1], [0, 0, 1, 1], [], []>, transpose_lhs_hint = false} : vector<32x64xf32>, vector<64x256xf32>, vector<32x256xf32> -> vector<32x256xf32>
      %add3A = arith.addf %get3A_31, %dot_general3A_36 : vector<32x256xf32>
      %get3A_37 = arith.constant 0 : index
      %get3A_38 = arith.constant 0 : index
      %get3A_39 = vector.load %arg3[%get3A_37, %get3A_38] : memref<1x256xf32, #tpu.memory_space<vmem>>, vector<1x256xf32>
      %add3A_40 = vector.broadcast %get3A_39 : vector<1x256xf32> to vector<32x256xf32>
      %add3A_41 = arith.addf %add3A, %add3A_40 : vector<32x256xf32>
      %slice3A = vector.extract_strided_slice %add3A_41 {offsets = [0, 0], sizes = [32, 64], strides = [1, 1]} : vector<32x256xf32> to vector<32x64xf32>
      %slice3A_42 = vector.extract_strided_slice %add3A_41 {offsets = [0, 64], sizes = [32, 64], strides = [1, 1]} : vector<32x256xf32> to vector<32x64xf32>
      %slice3A_43 = vector.extract_strided_slice %add3A_41 {offsets = [0, 128], sizes = [32, 64], strides = [1, 1]} : vector<32x256xf32> to vector<32x64xf32>
      %slice3A_44 = vector.extract_strided_slice %add3A_41 {offsets = [0, 192], sizes = [32, 64], strides = [1, 1]} : vector<32x256xf32> to vector<32x64xf32>
      %neg3A = arith.constant 0.000000e+00 : f32
      %neg3A_45 = vector.broadcast %neg3A : f32 to vector<32x64xf32>
      %neg3A_46 = arith.subf %neg3A_45, %slice3A_42 : vector<32x64xf32>
      %exp3A = math.exp %neg3A_46 : vector<32x64xf32>
      %add3A_47 = arith.constant 1.000000e+00 : f32
      %add3A_48 = vector.broadcast %add3A_47 : f32 to vector<32x64xf32>
      %add3A_49 = arith.addf %add3A_48, %exp3A : vector<32x64xf32>
      %div3A = arith.constant 1.000000e+00 : f32
      %div3A_50 = vector.broadcast %div3A : f32 to vector<32x64xf32>
      %div3A_51 = arith.divf %div3A_50, %add3A_49 : vector<32x64xf32>
      %mul3A_52 = arith.mulf %div3A_51, %scan3A_27 : vector<32x64xf32>
      %neg3A_53 = arith.constant 0.000000e+00 : f32
      %neg3A_54 = vector.broadcast %neg3A_53 : f32 to vector<32x64xf32>
      %neg3A_55 = arith.subf %neg3A_54, %slice3A : vector<32x64xf32>
      %exp3A_56 = math.exp %neg3A_55 : vector<32x64xf32>
      %add3A_57 = arith.constant 1.000000e+00 : f32
      %add3A_58 = vector.broadcast %add3A_57 : f32 to vector<32x64xf32>
      %add3A_59 = arith.addf %add3A_58, %exp3A_56 : vector<32x64xf32>
      %div3A_60 = arith.constant 1.000000e+00 : f32
      %div3A_61 = vector.broadcast %div3A_60 : f32 to vector<32x64xf32>
      %div3A_62 = arith.divf %div3A_61, %add3A_59 : vector<32x64xf32>
      %tanh3A = math.tanh %slice3A_43 : vector<32x64xf32>
      %mul3A_63 = arith.mulf %div3A_62, %tanh3A : vector<32x64xf32>
      %add3A_64 = arith.addf %mul3A_52, %mul3A_63 : vector<32x64xf32>
      %neg3A_65 = arith.constant 0.000000e+00 : f32
      %neg3A_66 = vector.broadcast %neg3A_65 : f32 to vector<32x64xf32>
      %neg3A_67 = arith.subf %neg3A_66, %slice3A_44 : vector<32x64xf32>
      %exp3A_68 = math.exp %neg3A_67 : vector<32x64xf32>
      %add3A_69 = arith.constant 1.000000e+00 : f32
      %add3A_70 = vector.broadcast %add3A_69 : f32 to vector<32x64xf32>
      %add3A_71 = arith.addf %add3A_70, %exp3A_68 : vector<32x64xf32>
      %div3A_72 = arith.constant 1.000000e+00 : f32
      %div3A_73 = vector.broadcast %div3A_72 : f32 to vector<32x64xf32>
      %div3A_74 = arith.divf %div3A_73, %add3A_71 : vector<32x64xf32>
      %tanh3A_75 = math.tanh %add3A_64 : vector<32x64xf32>
      %mul3A_76 = arith.mulf %div3A_74, %tanh3A_75 : vector<32x64xf32>
      scf.yield %mul3A_76, %add3A_64 : vector<32x64xf32>, vector<32x64xf32>
    }
    %scan3A_16 = arith.constant 50 : i32
    %get3A_17 = arith.constant 0 : index
    %get3A_18 = arith.constant 0 : index
    %get3A_19 = vector.load %arg4[%get3A_17, %get3A_18] : memref<64x64xf32, #tpu.memory_space<vmem>>, vector<64x64xf32>
    %dot_general3A_20 = arith.constant dense<0.000000e+00> : vector<32x64xf32>
    %dot_general3A_21 = tpu.matmul %scan3A_15#0, %get3A_19, %dot_general3A_20 {dimension_numbers = #tpu.dot_dimension_numbers<[1], [0], [0], [1], [0, 0, 1, 1], [], []>, transpose_lhs_hint = false} : vector<32x64xf32>, vector<64x64xf32>, vector<32x64xf32> -> vector<32x64xf32>
    %swap3A_22 = arith.constant 0 : index
    %swap3A_23 = arith.constant 0 : index
    %swap3A_24 = vector.load %arg5[%swap3A_22, %swap3A_23] : memref<32x64xf32, #tpu.memory_space<vmem>>, vector<32x64xf32>
    tpu.vector_store %arg5[%swap3A_22, %swap3A_23], %dot_general3A_21 {strides = array<i32>} : memref<32x64xf32, #tpu.memory_space<vmem>>, vector<32x64xf32>,
    return
  }
}

module attributes {stable_mosaic.version = 14 : i64} {
  func.func @_attn_body(%arg0: i32, %arg1: memref<1x10x64x2000xf32, #tpu.memory_space<vmem>>, %arg2: memref<640x640xf32, #tpu.memory_space<vmem>>, %arg3: memref<1x1x10x640xf32, #tpu.memory_space<vmem>>, %arg4: memref<1x10x2000xf32, #tpu.memory_space<vmem>>) attributes {dimension_semantics = [#tpu.dimension_semantics<arbitrary>], iteration_bounds = array<i64: 32>, scalar_prefetch = 0 : i64, scratch_operands = 0 : i64, tpu.core_type = #tpu.core_type<tc>, window_params = [{transform_indices = @transform_0, window_bounds = array<i64: 1, 10, 64, 2000>}, {pipeline_mode = #tpu.pipeline_mode<synchronous>, transform_indices = @transform_1, window_bounds = array<i64: 640, 640>}, {transform_indices = @transform_2, window_bounds = array<i64: 1, 1, 10, 640>}, {transform_indices = @transform_3, window_bounds = array<i64: 1, 10, 2000>}]} {
    %get3A = arith.constant 0 : index
    %get3A_0 = arith.constant 0 : index
    %get3A_1 = arith.constant 0 : index
    %get3A_2 = arith.constant 0 : index
    %get3A_3 = vector.load %arg1[%get3A, %get3A_0, %get3A_1, %get3A_2] : memref<1x10x64x2000xf32, #tpu.memory_space<vmem>>, vector<1x10x64x2000xf32>
    %get3A_4 = vector.shape_cast %get3A_3 : vector<1x10x64x2000xf32> to vector<10x64x2000xf32>
    %reshape3A = vector.shape_cast %get3A_4 : vector<10x64x2000xf32> to vector<640x2000xf32>
    %get3A_5 = arith.constant 0 : index
    %get3A_6 = arith.constant 0 : index
    %get3A_7 = vector.load %arg2[%get3A_5, %get3A_6] : memref<640x640xf32, #tpu.memory_space<vmem>>, vector<640x640xf32>
    %dot_general3A = arith.constant dense<0.000000e+00> : vector<640x2000xf32>
    %dot_general3A_8 = tpu.matmul %get3A_7, %reshape3A, %dot_general3A {dimension_numbers = #tpu.dot_dimension_numbers<[1], [0], [0], [1], [0, 0, 1, 1], [], []>, transpose_lhs_hint = false} : vector<640x640xf32>, vector<640x2000xf32>, vector<640x2000xf32> -> vector<640x2000xf32>
    %get3A_9 = arith.constant 0 : index
    %get3A_10 = arith.constant 0 : index
    %get3A_11 = arith.constant 0 : index
    %get3A_12 = arith.constant 0 : index
    %get3A_13 = vector.load %arg3[%get3A_9, %get3A_10, %get3A_11, %get3A_12] : memref<1x1x10x640xf32, #tpu.memory_space<vmem>>, vector<1x1x10x640xf32>
    %get3A_14 = vector.shape_cast %get3A_13 : vector<1x1x10x640xf32> to vector<10x640xf32>
    %dot_general3A_15 = arith.constant dense<0.000000e+00> : vector<10x2000xf32>
    %dot_general3A_16 = tpu.matmul %get3A_14, %dot_general3A_8, %dot_general3A_15 {dimension_numbers = #tpu.dot_dimension_numbers<[1], [0], [0], [1], [0, 0, 1, 1], [], []>, transpose_lhs_hint = false} : vector<10x640xf32>, vector<640x2000xf32>, vector<10x2000xf32> -> vector<10x2000xf32>
    %mul3A = arith.constant 1.250000e-01 : f32
    %mul3A_17 = vector.broadcast %mul3A : f32 to vector<10x2000xf32>
    %mul3A_18 = arith.mulf %dot_general3A_16, %mul3A_17 : vector<10x2000xf32>
    %swap3A = arith.constant 0 : index
    %swap3A_19 = arith.constant 0 : index
    %swap3A_20 = arith.constant 0 : index
    %swap3A_21 = vector.load %arg4[%swap3A, %swap3A_19, %swap3A_20] : memref<1x10x2000xf32, #tpu.memory_space<vmem>>, vector<1x10x2000xf32>
    %swap3A_22 = vector.shape_cast %swap3A_21 : vector<1x10x2000xf32> to vector<10x2000xf32>
    %swap3A_23 = vector.shape_cast %mul3A_18 : vector<10x2000xf32> to vector<1x10x2000xf32>
    tpu.vector_store %arg4[%swap3A, %swap3A_19, %swap3A_20], %swap3A_23 {strides = array<i32>} : memref<1x10x2000xf32, #tpu.memory_space<vmem>>, vector<1x10x2000xf32>,
    return
  }
  func.func @transform_0(%arg0: i32) -> (i32, i32, i32, i32) {
    %c0_i32 = arith.constant 0 : i32
    %c0_i32_0 = arith.constant 0 : i32
    %c0_i32_1 = arith.constant 0 : i32
    %c0_i32_2 = arith.constant 0 : i32
    return %arg0, %c0_i32, %c0_i32_0, %c0_i32_1 : i32, i32, i32, i32
  }
  func.func @transform_1(%arg0: i32) -> (i32, i32) {
    %c0_i32 = arith.constant 0 : i32
    %c0_i32_0 = arith.constant 0 : i32
    %c0_i32_1 = arith.constant 0 : i32
    return %c0_i32, %c0_i32_0 : i32, i32
  }
  func.func @transform_2(%arg0: i32) -> (i32, i32, i32, i32) {
    %c0_i32 = arith.constant 0 : i32
    %c0_i32_0 = arith.constant 0 : i32
    %c0_i32_1 = arith.constant 0 : i32
    %c0_i32_2 = arith.constant 0 : i32
    return %arg0, %c0_i32, %c0_i32_0, %c0_i32_1 : i32, i32, i32, i32
  }
  func.func @transform_3(%arg0: i32) -> (i32, i32, i32) {
    %c0_i32 = arith.constant 0 : i32
    %c0_i32_0 = arith.constant 0 : i32
    %c0_i32_1 = arith.constant 0 : i32
    return %arg0, %c0_i32, %c0_i32_0 : i32, i32, i32
  }
}

module attributes {stable_mosaic.version = 14 : i64} {
  func.func @_head_body(%arg0: i32, %arg1: memref<32x2x16xi32, #tpu.memory_space<smem>>, %arg2: memref<32x16xf32, #tpu.memory_space<smem>>, %arg3: memref<1x64x128xf32, #tpu.memory_space<vmem>>, %arg4: memref<1x64x128xf32, #tpu.memory_space<vmem>>, %arg5: memref<1x64x128xf32, #tpu.memory_space<vmem>>, %arg6: memref<1x64x128xf32, #tpu.memory_space<vmem>>, %arg7: memref<1x64x128xf32, #tpu.memory_space<vmem>>, %arg8: memref<64x64xf32, #tpu.memory_space<vmem>>, %arg9: memref<64x1xf32, #tpu.memory_space<vmem>>, %arg10: memref<32x64xf32, #tpu.memory_space<vmem>>, %arg11: memref<32x1xf32, #tpu.memory_space<vmem>>, %arg12: memref<1x32xf32, #tpu.memory_space<vmem>>, %arg13: memref<1x1xf32, #tpu.memory_space<vmem>>, %arg14: memref<1x1x1xf32, #tpu.memory_space<vmem>>) attributes {dimension_semantics = [#tpu.dimension_semantics<arbitrary>], iteration_bounds = array<i64: 32>, scalar_prefetch = 2 : i64, scratch_operands = 0 : i64, tpu.core_type = #tpu.core_type<tc>, window_params = [{transform_indices = @transform_0, window_bounds = array<i64: 1, 64, 128>}, {transform_indices = @transform_1, window_bounds = array<i64: 1, 64, 128>}, {transform_indices = @transform_2, window_bounds = array<i64: 1, 64, 128>}, {transform_indices = @transform_3, window_bounds = array<i64: 1, 64, 128>}, {transform_indices = @transform_4, window_bounds = array<i64: 1, 64, 128>}, {pipeline_mode = #tpu.pipeline_mode<synchronous>, transform_indices = @transform_5, window_bounds = array<i64: 64, 64>}, {pipeline_mode = #tpu.pipeline_mode<synchronous>, transform_indices = @transform_6, window_bounds = array<i64: 64, 1>}, {pipeline_mode = #tpu.pipeline_mode<synchronous>, transform_indices = @transform_7, window_bounds = array<i64: 32, 64>}, {pipeline_mode = #tpu.pipeline_mode<synchronous>, transform_indices = @transform_8, window_bounds = array<i64: 32, 1>}, {pipeline_mode = #tpu.pipeline_mode<synchronous>, transform_indices = @transform_9, window_bounds = array<i64: 1, 32>}, {pipeline_mode = #tpu.pipeline_mode<synchronous>, transform_indices = @transform_10, window_bounds = array<i64: 1, 1>}, {transform_indices = @transform_11, window_bounds = array<i64: 1, 1, 1>}]} {
    %iota3A = tpu.iota {dimensions = array<i32: 1>} : vector<64x128xi32>
    %get3A = arith.index_cast %arg0 : i32 to index
    %get3A_0 = arith.constant 0 : index
    %get3A_1 = arith.constant 0 : index
    %get3A_2 = memref.load %arg1[%get3A, %get3A_0, %get3A_1] : memref<32x2x16xi32, #tpu.memory_space<smem>>
    %rem3A = arith.constant 128 : i32
    %rem3A_3 = arith.remsi %get3A_2, %rem3A : i32
    %eq3A = vector.broadcast %rem3A_3 : i32 to vector<64x128xi32>
    %eq3A_4 = arith.cmpi eq, %iota3A, %eq3A : vector<64x128xi32>
    %get3A_5 = arith.constant 0 : index
    %get3A_6 = arith.constant 0 : index
    %get3A_7 = arith.constant 0 : index
    %get3A_8 = vector.load %arg3[%get3A_5, %get3A_6, %get3A_7] : memref<1x64x128xf32, #tpu.memory_space<vmem>>, vector<1x64x128xf32>
    %get3A_9 = vector.shape_cast %get3A_8 : vector<1x64x128xf32> to vector<64x128xf32>
    %jit3A = arith.constant 0.000000e+00 : f32
    %broadcast_in_dim3A = vector.broadcast %jit3A : f32 to vector<64x128xf32>
    %select_n3A = arith.select %eq3A_4, %get3A_9, %broadcast_in_dim3A : vector<64x128xi1>, vector<64x128xf32>
    %reduce_sum3A = arith.constant dense<0.000000e+00> : vector<64xf32>
    %reduce_sum3A_10 = vector.multi_reduction <add>, %select_n3A, %reduce_sum3A [1] : vector<64x128xf32> to vector<64xf32>
    %broadcast_in_dim3A_11 = vector.shape_cast %reduce_sum3A_10 : vector<64xf32> to vector<64x1xf32>
    %get3A_12 = arith.index_cast %arg0 : i32 to index
    %get3A_13 = arith.constant 0 : index
    %get3A_14 = memref.load %arg2[%get3A_12, %get3A_13] : memref<32x16xf32, #tpu.memory_space<smem>>
    %mul3A = vector.broadcast %get3A_14 : f32 to vector<64x1xf32>
    %mul3A_15 = arith.mulf %broadcast_in_dim3A_11, %mul3A : vector<64x1xf32>
    %get3A_16 = arith.index_cast %arg0 : i32 to index
    %get3A_17 = arith.constant 0 : index
    %get3A_18 = arith.constant 1 : index
    %get3A_19 = memref.load %arg1[%get3A_16, %get3A_17, %get3A_18] : memref<32x2x16xi32, #tpu.memory_space<smem>>
    %rem3A_20 = arith.constant 128 : i32
    %rem3A_21 = arith.remsi %get3A_19, %rem3A_20 : i32
    %eq3A_22 = vector.broadcast %rem3A_21 : i32 to vector<64x128xi32>
    %eq3A_23 = arith.cmpi eq, %iota3A, %eq3A_22 : vector<64x128xi32>
    %get3A_24 = arith.constant 0 : index
    %get3A_25 = arith.constant 0 : index
    %get3A_26 = arith.constant 0 : index
    %get3A_27 = vector.load %arg4[%get3A_24, %get3A_25, %get3A_26] : memref<1x64x128xf32, #tpu.memory_space<vmem>>, vector<1x64x128xf32>
    %get3A_28 = vector.shape_cast %get3A_27 : vector<1x64x128xf32> to vector<64x128xf32>
    %jit3A_29 = arith.constant 0.000000e+00 : f32
    %broadcast_in_dim3A_30 = vector.broadcast %jit3A_29 : f32 to vector<64x128xf32>
    %select_n3A_31 = arith.select %eq3A_23, %get3A_28, %broadcast_in_dim3A_30 : vector<64x128xi1>, vector<64x128xf32>
    %reduce_sum3A_32 = arith.constant dense<0.000000e+00> : vector<64xf32>
    %reduce_sum3A_33 = vector.multi_reduction <add>, %select_n3A_31, %reduce_sum3A_32 [1] : vector<64x128xf32> to vector<64xf32>
    %broadcast_in_dim3A_34 = vector.shape_cast %reduce_sum3A_33 : vector<64xf32> to vector<64x1xf32>
    %get3A_35 = arith.index_cast %arg0 : i32 to index
    %get3A_36 = arith.constant 1 : index
    %get3A_37 = memref.load %arg2[%get3A_35, %get3A_36] : memref<32x16xf32, #tpu.memory_space<smem>>
    %mul3A_38 = vector.broadcast %get3A_37 : f32 to vector<64x1xf32>
    %mul3A_39 = arith.mulf %broadcast_in_dim3A_34, %mul3A_38 : vector<64x1xf32>
    %add3A = arith.addf %mul3A_15, %mul3A_39 : vector<64x1xf32>
    %get3A_40 = arith.index_cast %arg0 : i32 to index
    %get3A_41 = arith.constant 0 : index
    %get3A_42 = arith.constant 2 : index
    %get3A_43 = memref.load %arg1[%get3A_40, %get3A_41, %get3A_42] : memref<32x2x16xi32, #tpu.memory_space<smem>>
    %rem3A_44 = arith.constant 128 : i32
    %rem3A_45 = arith.remsi %get3A_43, %rem3A_44 : i32
    %eq3A_46 = vector.broadcast %rem3A_45 : i32 to vector<64x128xi32>
    %eq3A_47 = arith.cmpi eq, %iota3A, %eq3A_46 : vector<64x128xi32>
    %get3A_48 = arith.constant 0 : index
    %get3A_49 = arith.constant 0 : index
    %get3A_50 = arith.constant 0 : index
    %get3A_51 = vector.load %arg5[%get3A_48, %get3A_49, %get3A_50] : memref<1x64x128xf32, #tpu.memory_space<vmem>>, vector<1x64x128xf32>
    %get3A_52 = vector.shape_cast %get3A_51 : vector<1x64x128xf32> to vector<64x128xf32>
    %jit3A_53 = arith.constant 0.000000e+00 : f32
    %broadcast_in_dim3A_54 = vector.broadcast %jit3A_53 : f32 to vector<64x128xf32>
    %select_n3A_55 = arith.select %eq3A_47, %get3A_52, %broadcast_in_dim3A_54 : vector<64x128xi1>, vector<64x128xf32>
    %reduce_sum3A_56 = arith.constant dense<0.000000e+00> : vector<64xf32>
    %reduce_sum3A_57 = vector.multi_reduction <add>, %select_n3A_55, %reduce_sum3A_56 [1] : vector<64x128xf32> to vector<64xf32>
    %broadcast_in_dim3A_58 = vector.shape_cast %reduce_sum3A_57 : vector<64xf32> to vector<64x1xf32>
    %get3A_59 = arith.index_cast %arg0 : i32 to index
    %get3A_60 = arith.constant 2 : index
    %get3A_61 = memref.load %arg2[%get3A_59, %get3A_60] : memref<32x16xf32, #tpu.memory_space<smem>>
    %mul3A_62 = vector.broadcast %get3A_61 : f32 to vector<64x1xf32>
    %mul3A_63 = arith.mulf %broadcast_in_dim3A_58, %mul3A_62 : vector<64x1xf32>
    %add3A_64 = arith.addf %add3A, %mul3A_63 : vector<64x1xf32>
    %get3A_65 = arith.index_cast %arg0 : i32 to index
    %get3A_66 = arith.constant 0 : index
    %get3A_67 = arith.constant 3 : index
    %get3A_68 = memref.load %arg1[%get3A_65, %get3A_66, %get3A_67] : memref<32x2x16xi32, #tpu.memory_space<smem>>
    %rem3A_69 = arith.constant 128 : i32
    %rem3A_70 = arith.remsi %get3A_68, %rem3A_69 : i32
    %eq3A_71 = vector.broadcast %rem3A_70 : i32 to vector<64x128xi32>
    %eq3A_72 = arith.cmpi eq, %iota3A, %eq3A_71 : vector<64x128xi32>
    %get3A_73 = arith.constant 0 : index
    %get3A_74 = arith.constant 0 : index
    %get3A_75 = arith.constant 0 : index
    %get3A_76 = vector.load %arg6[%get3A_73, %get3A_74, %get3A_75] : memref<1x64x128xf32, #tpu.memory_space<vmem>>, vector<1x64x128xf32>
    %get3A_77 = vector.shape_cast %get3A_76 : vector<1x64x128xf32> to vector<64x128xf32>
    %jit3A_78 = arith.constant 0.000000e+00 : f32
    %broadcast_in_dim3A_79 = vector.broadcast %jit3A_78 : f32 to vector<64x128xf32>
    %select_n3A_80 = arith.select %eq3A_72, %get3A_77, %broadcast_in_dim3A_79 : vector<64x128xi1>, vector<64x128xf32>
    %reduce_sum3A_81 = arith.constant dense<0.000000e+00> : vector<64xf32>
    %reduce_sum3A_82 = vector.multi_reduction <add>, %select_n3A_80, %reduce_sum3A_81 [1] : vector<64x128xf32> to vector<64xf32>
    %broadcast_in_dim3A_83 = vector.shape_cast %reduce_sum3A_82 : vector<64xf32> to vector<64x1xf32>
    %get3A_84 = arith.index_cast %arg0 : i32 to index
    %get3A_85 = arith.constant 3 : index
    %get3A_86 = memref.load %arg2[%get3A_84, %get3A_85] : memref<32x16xf32, #tpu.memory_space<smem>>
    %mul3A_87 = vector.broadcast %get3A_86 : f32 to vector<64x1xf32>
    %mul3A_88 = arith.mulf %broadcast_in_dim3A_83, %mul3A_87 : vector<64x1xf32>
    %add3A_89 = arith.addf %add3A_64, %mul3A_88 : vector<64x1xf32>
    %get3A_90 = arith.index_cast %arg0 : i32 to index
    %get3A_91 = arith.constant 0 : index
    %get3A_92 = arith.constant 4 : index
    %get3A_93 = memref.load %arg1[%get3A_90, %get3A_91, %get3A_92] : memref<32x2x16xi32, #tpu.memory_space<smem>>
    %rem3A_94 = arith.constant 128 : i32
    %rem3A_95 = arith.remsi %get3A_93, %rem3A_94 : i32
    %eq3A_96 = vector.broadcast %rem3A_95 : i32 to vector<64x128xi32>
    %eq3A_97 = arith.cmpi eq, %iota3A, %eq3A_96 : vector<64x128xi32>
    %get3A_98 = arith.constant 0 : index
    %get3A_99 = arith.constant 0 : index
    %get3A_100 = arith.constant 0 : index
    %get3A_101 = vector.load %arg7[%get3A_98, %get3A_99, %get3A_100] : memref<1x64x128xf32, #tpu.memory_space<vmem>>, vector<1x64x128xf32>
    %get3A_102 = vector.shape_cast %get3A_101 : vector<1x64x128xf32> to vector<64x128xf32>
    %jit3A_103 = arith.constant 0.000000e+00 : f32
    %broadcast_in_dim3A_104 = vector.broadcast %jit3A_103 : f32 to vector<64x128xf32>
    %select_n3A_105 = arith.select %eq3A_97, %get3A_102, %broadcast_in_dim3A_104 : vector<64x128xi1>, vector<64x128xf32>
    %reduce_sum3A_106 = arith.constant dense<0.000000e+00> : vector<64xf32>
    %reduce_sum3A_107 = vector.multi_reduction <add>, %select_n3A_105, %reduce_sum3A_106 [1] : vector<64x128xf32> to vector<64xf32>
    %broadcast_in_dim3A_108 = vector.shape_cast %reduce_sum3A_107 : vector<64xf32> to vector<64x1xf32>
    %get3A_109 = arith.index_cast %arg0 : i32 to index
    %get3A_110 = arith.constant 4 : index
    %get3A_111 = memref.load %arg2[%get3A_109, %get3A_110] : memref<32x16xf32, #tpu.memory_space<smem>>
    %mul3A_112 = vector.broadcast %get3A_111 : f32 to vector<64x1xf32>
    %mul3A_113 = arith.mulf %broadcast_in_dim3A_108, %mul3A_112 : vector<64x1xf32>
    %add3A_114 = arith.addf %add3A_89, %mul3A_113 : vector<64x1xf32>
    %get3A_115 = arith.constant 0 : index
    %get3A_116 = arith.constant 0 : index
    %get3A_117 = vector.load %arg8[%get3A_115, %get3A_116] : memref<64x64xf32, #tpu.memory_space<vmem>>, vector<64x64xf32>
    %dot_general3A = arith.constant dense<0.000000e+00> : vector<64x1xf32>
    %dot_general3A_118 = tpu.matmul %get3A_117, %add3A_114, %dot_general3A {dimension_numbers = #tpu.dot_dimension_numbers<[1], [0], [0], [1], [0, 0, 1, 1], [], []>, transpose_lhs_hint = false} : vector<64x64xf32>, vector<64x1xf32>, vector<64x1xf32> -> vector<64x1xf32>
    %get3A_119 = arith.constant 0 : index
    %get3A_120 = arith.constant 0 : index
    %get3A_121 = vector.load %arg9[%get3A_119, %get3A_120] : memref<64x1xf32, #tpu.memory_space<vmem>>, vector<64x1xf32>
    %add3A_122 = arith.addf %dot_general3A_118, %get3A_121 : vector<64x1xf32>
    %max3A = arith.constant 0.000000e+00 : f32
    %max3A_123 = vector.broadcast %max3A : f32 to vector<64x1xf32>
    %max3A_124 = arith.maximumf %add3A_122, %max3A_123 : vector<64x1xf32>
    %get3A_125 = arith.constant 0 : index
    %get3A_126 = arith.constant 0 : index
    %get3A_127 = vector.load %arg10[%get3A_125, %get3A_126] : memref<32x64xf32, #tpu.memory_space<vmem>>, vector<32x64xf32>
    %dot_general3A_128 = arith.constant dense<0.000000e+00> : vector<32x1xf32>
    %dot_general3A_129 = tpu.matmul %get3A_127, %max3A_124, %dot_general3A_128 {dimension_numbers = #tpu.dot_dimension_numbers<[1], [0], [0], [1], [0, 0, 1, 1], [], []>, transpose_lhs_hint = false} : vector<32x64xf32>, vector<64x1xf32>, vector<32x1xf32> -> vector<32x1xf32>
    %get3A_130 = arith.constant 0 : index
    %get3A_131 = arith.constant 0 : index
    %get3A_132 = vector.load %arg11[%get3A_130, %get3A_131] : memref<32x1xf32, #tpu.memory_space<vmem>>, vector<32x1xf32>
    %add3A_133 = arith.addf %dot_general3A_129, %get3A_132 : vector<32x1xf32>
    %max3A_134 = arith.constant 0.000000e+00 : f32
    %max3A_135 = vector.broadcast %max3A_134 : f32 to vector<32x1xf32>
    %max3A_136 = arith.maximumf %add3A_133, %max3A_135 : vector<32x1xf32>
    %get3A_137 = arith.constant 0 : index
    %get3A_138 = arith.constant 0 : index
    %get3A_139 = vector.load %arg12[%get3A_137, %get3A_138] : memref<1x32xf32, #tpu.memory_space<vmem>>, vector<1x32xf32>
    %dot_general3A_140 = arith.constant dense<0.000000e+00> : vector<1x1xf32>
    %dot_general3A_141 = tpu.matmul %get3A_139, %max3A_136, %dot_general3A_140 {dimension_numbers = #tpu.dot_dimension_numbers<[1], [0], [0], [1], [0, 0, 1, 1], [], []>, transpose_lhs_hint = false} : vector<1x32xf32>, vector<32x1xf32>, vector<1x1xf32> -> vector<1x1xf32>
    %get3A_142 = arith.constant 0 : index
    %get3A_143 = arith.constant 0 : index
    %get3A_144 = vector.load %arg13[%get3A_142, %get3A_143] : memref<1x1xf32, #tpu.memory_space<vmem>>, vector<1x1xf32>
    %add3A_145 = arith.addf %dot_general3A_141, %get3A_144 : vector<1x1xf32>
    %swap3A = arith.constant 0 : index
    %swap3A_146 = arith.constant 0 : index
    %swap3A_147 = arith.constant 0 : index
    %swap3A_148 = vector.load %arg14[%swap3A, %swap3A_146, %swap3A_147] : memref<1x1x1xf32, #tpu.memory_space<vmem>>, vector<1x1x1xf32>
    %swap3A_149 = vector.shape_cast %swap3A_148 : vector<1x1x1xf32> to vector<1x1xf32>
    %swap3A_150 = vector.shape_cast %add3A_145 : vector<1x1xf32> to vector<1x1x1xf32>
    tpu.vector_store %arg14[%swap3A, %swap3A_146, %swap3A_147], %swap3A_150 {strides = array<i32>} : memref<1x1x1xf32, #tpu.memory_space<vmem>>, vector<1x1x1xf32>,
    return
  }
  func.func @transform_0(%arg0: i32, %arg1: memref<32x2x16xi32, #tpu.memory_space<smem>>, %arg2: memref<32x16xf32, #tpu.memory_space<smem>>) -> (i32, i32, i32) {
    %get3A = arith.index_cast %arg0 : i32 to index
    %get3A_0 = arith.constant 1 : index
    %get3A_1 = arith.constant 0 : index
    %get3A_2 = memref.load %arg1[%get3A, %get3A_0, %get3A_1] : memref<32x2x16xi32, #tpu.memory_space<smem>>
    %get3A_3 = arith.index_cast %arg0 : i32 to index
    %get3A_4 = arith.constant 0 : index
    %get3A_5 = arith.constant 0 : index
    %get3A_6 = memref.load %arg1[%get3A_3, %get3A_4, %get3A_5] : memref<32x2x16xi32, #tpu.memory_space<smem>>
    %jit3A = arith.constant 128 : i32
    %div3A = arith.divsi %get3A_6, %jit3A : i32
    %sign3A = arith.constant 0 : i32
    %sign3A_7 = arith.cmpi sgt, %get3A_6, %sign3A : i32
    %sign3A_8 = arith.extui %sign3A_7 : i1 to i32
    %sign3A_9 = arith.constant 0 : i32
    %sign3A_10 = arith.cmpi slt, %get3A_6, %sign3A_9 : i32
    %sign3A_11 = arith.extui %sign3A_10 : i1 to i32
    %sign3A_12 = arith.subi %sign3A_8, %sign3A_11 : i32
    %sign3A_13 = arith.constant 0 : i32
    %sign3A_14 = arith.cmpi sgt, %jit3A, %sign3A_13 : i32
    %sign3A_15 = arith.extui %sign3A_14 : i1 to i32
    %sign3A_16 = arith.constant 0 : i32
    %sign3A_17 = arith.cmpi slt, %jit3A, %sign3A_16 : i32
    %sign3A_18 = arith.extui %sign3A_17 : i1 to i32
    %sign3A_19 = arith.subi %sign3A_15, %sign3A_18 : i32
    %ne3A = arith.cmpi ne, %sign3A_12, %sign3A_19 : i32
    %rem3A = arith.remsi %get3A_6, %jit3A : i32
    %ne3A_20 = arith.constant 0 : i32
    %ne3A_21 = arith.cmpi ne, %rem3A, %ne3A_20 : i32
    %and3A = arith.andi %ne3A, %ne3A_21 : i1
    %sub3A = arith.constant 1 : i32
    %sub3A_22 = arith.subi %div3A, %sub3A : i32
    %select_n3A = arith.select %and3A, %sub3A_22, %div3A : i32
    %c0_i32 = arith.constant 0 : i32
    return %arg0, %get3A_2, %select_n3A : i32, i32, i32
  }
  func.func @transform_1(%arg0: i32, %arg1: memref<32x2x16xi32, #tpu.memory_space<smem>>, %arg2: memref<32x16xf32, #tpu.memory_space<smem>>) -> (i32, i32, i32) {
    %get3A = arith.index_cast %arg0 : i32 to index
    %get3A_0 = arith.constant 1 : index
    %get3A_1 = arith.constant 1 : index
    %get3A_2 = memref.load %arg1[%get3A, %get3A_0, %get3A_1] : memref<32x2x16xi32, #tpu.memory_space<smem>>
    %get3A_3 = arith.index_cast %arg0 : i32 to index
    %get3A_4 = arith.constant 0 : index
    %get3A_5 = arith.constant 1 : index
    %get3A_6 = memref.load %arg1[%get3A_3, %get3A_4, %get3A_5] : memref<32x2x16xi32, #tpu.memory_space<smem>>
    %jit3A = arith.constant 128 : i32
    %div3A = arith.divsi %get3A_6, %jit3A : i32
    %sign3A = arith.constant 0 : i32
    %sign3A_7 = arith.cmpi sgt, %get3A_6, %sign3A : i32
    %sign3A_8 = arith.extui %sign3A_7 : i1 to i32
    %sign3A_9 = arith.constant 0 : i32
    %sign3A_10 = arith.cmpi slt, %get3A_6, %sign3A_9 : i32
    %sign3A_11 = arith.extui %sign3A_10 : i1 to i32
    %sign3A_12 = arith.subi %sign3A_8, %sign3A_11 : i32
    %sign3A_13 = arith.constant 0 : i32
    %sign3A_14 = arith.cmpi sgt, %jit3A, %sign3A_13 : i32
    %sign3A_15 = arith.extui %sign3A_14 : i1 to i32
    %sign3A_16 = arith.constant 0 : i32
    %sign3A_17 = arith.cmpi slt, %jit3A, %sign3A_16 : i32
    %sign3A_18 = arith.extui %sign3A_17 : i1 to i32
    %sign3A_19 = arith.subi %sign3A_15, %sign3A_18 : i32
    %ne3A = arith.cmpi ne, %sign3A_12, %sign3A_19 : i32
    %rem3A = arith.remsi %get3A_6, %jit3A : i32
    %ne3A_20 = arith.constant 0 : i32
    %ne3A_21 = arith.cmpi ne, %rem3A, %ne3A_20 : i32
    %and3A = arith.andi %ne3A, %ne3A_21 : i1
    %sub3A = arith.constant 1 : i32
    %sub3A_22 = arith.subi %div3A, %sub3A : i32
    %select_n3A = arith.select %and3A, %sub3A_22, %div3A : i32
    %c0_i32 = arith.constant 0 : i32
    return %arg0, %get3A_2, %select_n3A : i32, i32, i32
  }
  func.func @transform_2(%arg0: i32, %arg1: memref<32x2x16xi32, #tpu.memory_space<smem>>, %arg2: memref<32x16xf32, #tpu.memory_space<smem>>) -> (i32, i32, i32) {
    %get3A = arith.index_cast %arg0 : i32 to index
    %get3A_0 = arith.constant 1 : index
    %get3A_1 = arith.constant 2 : index
    %get3A_2 = memref.load %arg1[%get3A, %get3A_0, %get3A_1] : memref<32x2x16xi32, #tpu.memory_space<smem>>
    %get3A_3 = arith.index_cast %arg0 : i32 to index
    %get3A_4 = arith.constant 0 : index
    %get3A_5 = arith.constant 2 : index
    %get3A_6 = memref.load %arg1[%get3A_3, %get3A_4, %get3A_5] : memref<32x2x16xi32, #tpu.memory_space<smem>>
    %jit3A = arith.constant 128 : i32
    %div3A = arith.divsi %get3A_6, %jit3A : i32
    %sign3A = arith.constant 0 : i32
    %sign3A_7 = arith.cmpi sgt, %get3A_6, %sign3A : i32
    %sign3A_8 = arith.extui %sign3A_7 : i1 to i32
    %sign3A_9 = arith.constant 0 : i32
    %sign3A_10 = arith.cmpi slt, %get3A_6, %sign3A_9 : i32
    %sign3A_11 = arith.extui %sign3A_10 : i1 to i32
    %sign3A_12 = arith.subi %sign3A_8, %sign3A_11 : i32
    %sign3A_13 = arith.constant 0 : i32
    %sign3A_14 = arith.cmpi sgt, %jit3A, %sign3A_13 : i32
    %sign3A_15 = arith.extui %sign3A_14 : i1 to i32
    %sign3A_16 = arith.constant 0 : i32
    %sign3A_17 = arith.cmpi slt, %jit3A, %sign3A_16 : i32
    %sign3A_18 = arith.extui %sign3A_17 : i1 to i32
    %sign3A_19 = arith.subi %sign3A_15, %sign3A_18 : i32
    %ne3A = arith.cmpi ne, %sign3A_12, %sign3A_19 : i32
    %rem3A = arith.remsi %get3A_6, %jit3A : i32
    %ne3A_20 = arith.constant 0 : i32
    %ne3A_21 = arith.cmpi ne, %rem3A, %ne3A_20 : i32
    %and3A = arith.andi %ne3A, %ne3A_21 : i1
    %sub3A = arith.constant 1 : i32
    %sub3A_22 = arith.subi %div3A, %sub3A : i32
    %select_n3A = arith.select %and3A, %sub3A_22, %div3A : i32
    %c0_i32 = arith.constant 0 : i32
    return %arg0, %get3A_2, %select_n3A : i32, i32, i32
  }
  func.func @transform_3(%arg0: i32, %arg1: memref<32x2x16xi32, #tpu.memory_space<smem>>, %arg2: memref<32x16xf32, #tpu.memory_space<smem>>) -> (i32, i32, i32) {
    %get3A = arith.index_cast %arg0 : i32 to index
    %get3A_0 = arith.constant 1 : index
    %get3A_1 = arith.constant 3 : index
    %get3A_2 = memref.load %arg1[%get3A, %get3A_0, %get3A_1] : memref<32x2x16xi32, #tpu.memory_space<smem>>
    %get3A_3 = arith.index_cast %arg0 : i32 to index
    %get3A_4 = arith.constant 0 : index
    %get3A_5 = arith.constant 3 : index
    %get3A_6 = memref.load %arg1[%get3A_3, %get3A_4, %get3A_5] : memref<32x2x16xi32, #tpu.memory_space<smem>>
    %jit3A = arith.constant 128 : i32
    %div3A = arith.divsi %get3A_6, %jit3A : i32
    %sign3A = arith.constant 0 : i32
    %sign3A_7 = arith.cmpi sgt, %get3A_6, %sign3A : i32
    %sign3A_8 = arith.extui %sign3A_7 : i1 to i32
    %sign3A_9 = arith.constant 0 : i32
    %sign3A_10 = arith.cmpi slt, %get3A_6, %sign3A_9 : i32
    %sign3A_11 = arith.extui %sign3A_10 : i1 to i32
    %sign3A_12 = arith.subi %sign3A_8, %sign3A_11 : i32
    %sign3A_13 = arith.constant 0 : i32
    %sign3A_14 = arith.cmpi sgt, %jit3A, %sign3A_13 : i32
    %sign3A_15 = arith.extui %sign3A_14 : i1 to i32
    %sign3A_16 = arith.constant 0 : i32
    %sign3A_17 = arith.cmpi slt, %jit3A, %sign3A_16 : i32
    %sign3A_18 = arith.extui %sign3A_17 : i1 to i32
    %sign3A_19 = arith.subi %sign3A_15, %sign3A_18 : i32
    %ne3A = arith.cmpi ne, %sign3A_12, %sign3A_19 : i32
    %rem3A = arith.remsi %get3A_6, %jit3A : i32
    %ne3A_20 = arith.constant 0 : i32
    %ne3A_21 = arith.cmpi ne, %rem3A, %ne3A_20 : i32
    %and3A = arith.andi %ne3A, %ne3A_21 : i1
    %sub3A = arith.constant 1 : i32
    %sub3A_22 = arith.subi %div3A, %sub3A : i32
    %select_n3A = arith.select %and3A, %sub3A_22, %div3A : i32
    %c0_i32 = arith.constant 0 : i32
    return %arg0, %get3A_2, %select_n3A : i32, i32, i32
  }
  func.func @transform_4(%arg0: i32, %arg1: memref<32x2x16xi32, #tpu.memory_space<smem>>, %arg2: memref<32x16xf32, #tpu.memory_space<smem>>) -> (i32, i32, i32) {
    %get3A = arith.index_cast %arg0 : i32 to index
    %get3A_0 = arith.constant 1 : index
    %get3A_1 = arith.constant 4 : index
    %get3A_2 = memref.load %arg1[%get3A, %get3A_0, %get3A_1] : memref<32x2x16xi32, #tpu.memory_space<smem>>
    %get3A_3 = arith.index_cast %arg0 : i32 to index
    %get3A_4 = arith.constant 0 : index
    %get3A_5 = arith.constant 4 : index
    %get3A_6 = memref.load %arg1[%get3A_3, %get3A_4, %get3A_5] : memref<32x2x16xi32, #tpu.memory_space<smem>>
    %jit3A = arith.constant 128 : i32
    %div3A = arith.divsi %get3A_6, %jit3A : i32
    %sign3A = arith.constant 0 : i32
    %sign3A_7 = arith.cmpi sgt, %get3A_6, %sign3A : i32
    %sign3A_8 = arith.extui %sign3A_7 : i1 to i32
    %sign3A_9 = arith.constant 0 : i32
    %sign3A_10 = arith.cmpi slt, %get3A_6, %sign3A_9 : i32
    %sign3A_11 = arith.extui %sign3A_10 : i1 to i32
    %sign3A_12 = arith.subi %sign3A_8, %sign3A_11 : i32
    %sign3A_13 = arith.constant 0 : i32
    %sign3A_14 = arith.cmpi sgt, %jit3A, %sign3A_13 : i32
    %sign3A_15 = arith.extui %sign3A_14 : i1 to i32
    %sign3A_16 = arith.constant 0 : i32
    %sign3A_17 = arith.cmpi slt, %jit3A, %sign3A_16 : i32
    %sign3A_18 = arith.extui %sign3A_17 : i1 to i32
    %sign3A_19 = arith.subi %sign3A_15, %sign3A_18 : i32
    %ne3A = arith.cmpi ne, %sign3A_12, %sign3A_19 : i32
    %rem3A = arith.remsi %get3A_6, %jit3A : i32
    %ne3A_20 = arith.constant 0 : i32
    %ne3A_21 = arith.cmpi ne, %rem3A, %ne3A_20 : i32
    %and3A = arith.andi %ne3A, %ne3A_21 : i1
    %sub3A = arith.constant 1 : i32
    %sub3A_22 = arith.subi %div3A, %sub3A : i32
    %select_n3A = arith.select %and3A, %sub3A_22, %div3A : i32
    %c0_i32 = arith.constant 0 : i32
    return %arg0, %get3A_2, %select_n3A : i32, i32, i32
  }
  func.func @transform_5(%arg0: i32, %arg1: memref<32x2x16xi32, #tpu.memory_space<smem>>, %arg2: memref<32x16xf32, #tpu.memory_space<smem>>) -> (i32, i32) {
    %c0_i32 = arith.constant 0 : i32
    %c0_i32_0 = arith.constant 0 : i32
    %c0_i32_1 = arith.constant 0 : i32
    return %c0_i32, %c0_i32_0 : i32, i32
  }
  func.func @transform_6(%arg0: i32, %arg1: memref<32x2x16xi32, #tpu.memory_space<smem>>, %arg2: memref<32x16xf32, #tpu.memory_space<smem>>) -> (i32, i32) {
    %c0_i32 = arith.constant 0 : i32
    %c0_i32_0 = arith.constant 0 : i32
    %c0_i32_1 = arith.constant 0 : i32
    return %c0_i32, %c0_i32_0 : i32, i32
  }
  func.func @transform_7(%arg0: i32, %arg1: memref<32x2x16xi32, #tpu.memory_space<smem>>, %arg2: memref<32x16xf32, #tpu.memory_space<smem>>) -> (i32, i32) {
    %c0_i32 = arith.constant 0 : i32
    %c0_i32_0 = arith.constant 0 : i32
    %c0_i32_1 = arith.constant 0 : i32
    return %c0_i32, %c0_i32_0 : i32, i32
  }
  func.func @transform_8(%arg0: i32, %arg1: memref<32x2x16xi32, #tpu.memory_space<smem>>, %arg2: memref<32x16xf32, #tpu.memory_space<smem>>) -> (i32, i32) {
    %c0_i32 = arith.constant 0 : i32
    %c0_i32_0 = arith.constant 0 : i32
    %c0_i32_1 = arith.constant 0 : i32
    return %c0_i32, %c0_i32_0 : i32, i32
  }
  func.func @transform_9(%arg0: i32, %arg1: memref<32x2x16xi32, #tpu.memory_space<smem>>, %arg2: memref<32x16xf32, #tpu.memory_space<smem>>) -> (i32, i32) {
    %c0_i32 = arith.constant 0 : i32
    %c0_i32_0 = arith.constant 0 : i32
    %c0_i32_1 = arith.constant 0 : i32
    return %c0_i32, %c0_i32_0 : i32, i32
  }
  func.func @transform_10(%arg0: i32, %arg1: memref<32x2x16xi32, #tpu.memory_space<smem>>, %arg2: memref<32x16xf32, #tpu.memory_space<smem>>) -> (i32, i32) {
    %c0_i32 = arith.constant 0 : i32
    %c0_i32_0 = arith.constant 0 : i32
    %c0_i32_1 = arith.constant 0 : i32
    return %c0_i32, %c0_i32_0 : i32, i32
  }
  func.func @transform_11(%arg0: i32, %arg1: memref<32x2x16xi32, #tpu.memory_space<smem>>, %arg2: memref<32x16xf32, #tpu.memory_space<smem>>) -> (i32, i32, i32) {
    %c0_i32 = arith.constant 0 : i32
    %c0_i32_0 = arith.constant 0 : i32
    %c0_i32_1 = arith.constant 0 : i32
    return %arg0, %c0_i32, %c0_i32_0 : i32, i32, i32
  }
}

</mosaic_0001>

<sc_bundles>
// kernel: kernel.6.cloned.1.call-start
scs
__scs_entry_jumppad:
0x0: {  	(pc) =	sbr.rel $0x88, $3  }
0x1: {  	(tag) =	ssettag $0x0;
	lr =	simm.s32 $0x1  }
0x2: {  	[smem:$0x3F93] =	sst lr;
	_ =	strace $0xD0000000  }
0x3: {  	_ = 	snop  }
0x4: {  	_ = 	snop  }
0x5: {  	_ = 	snop  }
0x6: {  	_ = 	snop  }
0x7: {  	_ = 	snop  }
__scs_overlays_trampoline_lowered:
0x8: {  	[smem:$0x3FA2] =	sst s0  }
0x9: {  	[smem:$0x3FA3] =	sst s1  }
0xa: {  	[smem:$0x3FA4] =	sst s2  }
0xb: {  	[smem:$0x3FA5] =	sst s3  }
0xc: {  	[smem:$0x3FA6] =	sst s4  }
0xd: {  	[smem:$0x3FA7] =	sst s5  }
0xe: {  	[smem:$0x3FA8] =	sst s6  }
0xf: {  	[smem:$0x3FA9] =	sst s7  }
0x10: {  	[smem:$0x3FAA] =	sst s8  }
0x11: {  	[smem:$0x3FAB] =	sst s9;
	s0 =	simm.s32 @!p0 $0x0  }
0x12: {  	s1 =	sld [smem:$0x3F91];
	s0 =	simm.s32 @p0 $0x1  }
0x13: {  	[smem:$0x3FAC] =	sst s0;
	s0 =	simm.s32 @!p1 $0x0  }
0x14: {  	s2 =	sld [smem:$0x3F90];
	s0 =	simm.s32 @p1 $0x1  }
0x15: {  	[smem:$0x3FAD] =	sst s0;
	s0 =	simm.s32 @!p2 $0x0  }
0x16: {  	s3 =	sld [smem:$0x3FDB];
	s0 =	simm.s32 @p2 $0x1  }
0x17: {  	s4 =	simm.s32 $0x1BF5;
	[smem:$0x3FAF] =	sst s0  }
0x18: {  	s0 =	sld [smem:$0x3F92];
	_ =	swait.ge [sflag:s4], $0x0  }
0x19: {  	s7 =	sld [smem:$0x3F93]  }
0x1a: {  	s8 =	sadd.s32 $0xFFFFE003, lr  }
0x1b: {  	s9 =	sadd.s32 $0xFFFFFEF7, lr;
	s5 =	simm.s32 $0xFFFFFFFF;
	p2 =	slt.u32 s8, $0xFFFFF086  }
0x1c: {  	p1 =	slt.u32 s9, $0xF7A;
	s5 =	simm.s32 @!p2 $0x0  }
0x1d: {  	s5 =	simm.s32 @p1 $0x1;
	p0 =	seq.s32 s7, s2  }
0x1e: {  	s7 =	smul.u32 @!p0 $0xF7A, s2;
	p2 =	seq.s32 @!p0 s5, $0x0  }
0x1f: {  	s9 =	smul.u32 $0xF7A, s1;
	s8 =	simm.s32 @!p0 $0x1BF5;
	p2 =	por !p2, p0  }
0x20: {  	[sflag:s8] =	ssyncset.s32 @!p0 $0xFFFFF086;
	s6 =	sadd.s32 @!p0 s3, s7;
	s7 =	simm.s32 @!p0 $0x108  }
0x21: {  	s3 =	sadd.s32 s3, s9;
	s6 =	sadd.s32 @!p0 $0x88, s6;
	s7 =	simm.s32 @p2 $0x1082  }
0x22: {  	[simem:s7], [sflag:s8] =	dma.local @!p0 [hbm:s6], $0xF7A  }
0x23: {  	s9 =	sor.u32 $0xD0000000, s2;
	s6 =	simm.s32 $0x108;
	_ =	swait.ge @!p0 [sflag:s8], $0x0  }
0x24: {  	s3 =	sadd.s32 $0x88, s3;
	s6 =	simm.s32 @!p1 $0x1082;
	[sflag:s4] =	ssyncset.s32 $0xFFFFF086  }
0x25: {  	[simem:s6], [sflag:s4] =	dma.local [hbm:s3], $0xF7A  }
0x26: {  	[smem:$0x3F93] =	sst s1;
	(tag) =	ssettag s2;
	_ =	strace s9  }
0x27: {  	s1 =	sld [smem:$0x3FA3]  }
0x28: {  	s2 =	sld [smem:$0x3FA4]  }
0x29: {  	s4 =	sld [smem:$0x3FA6]  }
0x2a: {  	p0 =	seq.s32 s5, $0x0;
	s5 =	sld [smem:$0x3FA7]  }
0x2b: {  	s6 =	sld [smem:$0x3FA8]  }
0x2c: {  	s7 =	sld [smem:$0x3FA9]  }
0x2d: {  	s3 =	simm.s32 $0x108;
	s8 =	sld [smem:$0x3FAA]  }
0x2e: {  	s3 =	simm.s32 @!p0 $0x1082;
	s9 =	sld [smem:$0x3FAB]  }
0x2f: {  	lr =	sadd.s32 s0, s3;
	s0 =	sld [smem:$0x3FA2]  }
0x30: {  	s3 =	sld [smem:$0x3FA5]  }
0x31: {  	[smem:$0x3FAE] =	sst s10  }
0x32: {  	s10 =	sld [smem:$0x3FAC];
	_ =	sdelay $0x3  }
0x33: {  	p0 =	seq.s32 s10, $0x1;
	s10 =	sld [smem:$0x3FAE];
	_ =	sdelay $0x3  }
0x34: {  	[smem:$0x3FAE] =	sst s10  }
0x35: {  	s10 =	sld [smem:$0x3FAD];
	_ =	sdelay $0x3  }
0x36: {  	p1 =	seq.s32 s10, $0x1;
	s10 =	sld [smem:$0x3FAE];
	_ =	sdelay $0x3  }
0x37: {  	[smem:$0x3FAE] =	sst s10  }
0x38: {  	s10 =	sld [smem:$0x3FAF]  }
0x39: {  	_ = 	snop;
	(pc) =	sbr.ind lr, $3  }
0x3a: {  	_ = 	snop  }
0x3b: {  	_ = 	snop  }
0x3c: {  	p2 =	seq.s32 s10, $0x1;
	s10 =	sld [smem:$0x3FAE]  }
0x3d: {  	_ =	shalt  }
0x3e: {  	_ =	shalt  }
0x3f: {  	_ =	shalt  }
0x40: {  	_ =	shalt  }
0x41: {  	_ =	shalt  }
0x42: {  	_ =	shalt  }
0x43: {  	_ =	shalt  }
0x44: {  	_ =	shalt  }
0x45: {  	_ =	shalt  }
0x46: {  	_ =	shalt  }
0x47: {  	_ =	shalt  }
0x48: {  	_ =	shalt  }
0x49: {  	_ =	shalt  }
0x4a: {  	_ =	shalt  }
0x4b: {  	_ =	shalt  }
0x4c: {  	_ =	shalt  }
0x4d: {  	_ =	shalt  }
0x4e: {  	_ =	shalt  }
0x4f: {  	_ =	shalt  }
0x50: {  	_ =	shalt  }
0x51: {  	_ =	shalt  }
0x52: {  	_ =	shalt  }
0x53: {  	_ =	shalt  }
0x54: {  	_ =	shalt  }
0x55: {  	_ =	shalt  }
0x56: {  	_ =	shalt  }
0x57: {  	_ =	shalt  }
0x58: {  	_ =	shalt  }
0x59: {  	_ =	shalt  }
0x5a: {  	_ =	shalt  }
0x5b: {  	_ =	shalt  }
0x5c: {  	_ =	shalt  }
0x5d: {  	_ =	shalt  }
0x5e: {  	_ =	shalt  }
0x5f: {  	_ =	shalt  }
0x60: {  	_ =	shalt  }
0x61: {  	_ =	shalt  }
0x62: {  	_ =	shalt  }
0x63: {  	_ =	shalt  }
0x64: {  	_ =	shalt  }
0x65: {  	_ =	shalt  }
0x66: {  	_ =	shalt  }
0x67: {  	_ =	shalt  }
0x68: {  	_ =	shalt  }
0x69: {  	_ =	shalt  }
0x6a: {  	_ =	shalt  }
0x6b: {  	_ =	shalt  }
0x6c: {  	_ =	shalt  }
0x6d: {  	_ =	shalt  }
0x6e: {  	_ =	shalt  }
0x6f: {  	_ =	shalt  }
0x70: {  	_ =	shalt  }
0x71: {  	_ =	shalt  }
0x72: {  	_ =	shalt  }
0x73: {  	_ =	shalt  }
0x74: {  	_ =	shalt  }
0x75: {  	_ =	shalt  }
0x76: {  	_ =	shalt  }
0x77: {  	_ =	shalt  }
0x78: {  	_ =	shalt  }
0x79: {  	_ =	shalt  }
0x7a: {  	_ =	shalt  }
0x7b: {  	_ =	shalt  }
0x7c: {  	_ =	shalt  }
0x7d: {  	_ =	shalt  }
0x7e: {  	_ =	shalt  }
0x7f: {  	_ =	shalt  }
0x80: {  	_ =	shalt  }
0x81: {  	_ =	shalt  }
0x82: {  	_ =	shalt  }
0x83: {  	_ =	shalt  }
0x84: {  	_ =	shalt  }
0x85: {  	_ =	shalt  }
0x86: {  	_ =	shalt  }
0x87: {  	_ =	shalt  }
.Lfunc_end0:
.L_simem_size_0:
called_computation_lowered:
.L_overlay_start_0:
0x88: {  	s2 =	sld [smem:$0x3FD9]  }
0x89: {  	s3 =	sld [smem:$0x3FFE];
	_ =	sdelay $0x1  }
0x8a: {  	s1 =	srdreg.scid  }
0x8b: {  	s0 =	sand.u32 $0x1, s1  }
0x8c: {  	s14 =	sshll.u32 s0, $0xA;
	s2 =	sadd.s32 s3, s2  }
0x8d: {  	s2 =	sadd.s32 s2, s14  }
0x8e: {  	[smem:$0x3FBA] =	sst s2  }
0x8f: {  	_ = 	snop  }
0x90: {  	s2 =	sld [smem:$0x3FD0];
	_ =	sdelay $0x2  }
0x91: {  	s15 =	simm.s32 $0xA;
	s4 =	simm.s32 $0x10  }
0x92: {  	[smem:s4], [sflag:s15] =	dma.local [hbm:s2], $0x1  }
0x93: {  	_ =	swait.eq [sflag:s15], $0x1  }
0x94: {  	[sflag:s15] =	ssyncset.done $0x0  }
0x95: {  	s16 =	sld [smem:$0x11];
	[sflag:s15] =	ssyncadd.s32 $0xFFFFFFFF  }
0x96: {  	s17 =	sld [smem:$0x12];
	(tm) =	ssettm $0x1  }
0x97: {  	s18 =	sld [smem:$0x3FFB];
	_ =	sdelay $0x3  }
0x98: {  	_ =	strace s18  }
0x99: {  	s4 =	sld [smem:$0x3FFC];
	_ =	sdelay $0x3  }
0x9a: {  	_ =	strace s4  }
0x9b: {  	s4 =	sld [smem:$0x3FFD];
	_ =	sdelay $0x3  }
0x9c: {  	_ =	strace s4  }
0x9d: {  	_ =	strace $0x8FFFFFFF  }
0x9e: {  	s19 =	sld [smem:$0x3FDB];
	_ =	sdelay $0x1  }
0x9f: {  	s5 =	simm.s32 $_scs_section_size  }
0xa0: {  	s6 =	simm.s32 $_size__tile_overlayer_lowered;
	s7 =	simm.s32 $_tile_overlayer_lowered  }
0xa1: {  	s22 =	simm.s32 $0x1BFF;
	s21 =	sshll.u32 s7, $0x1;
	s4 =	sadd.s32 s5, s19  }
0xa2: {  	s8 =	simm.s32 $0x0;
	s20 =	sshll.u32 s6, $0x1;
	s6 =	sadd.s32 s21, s4  }
0xa3: {  	[timem:s8], [sflag:s22] =	dma.local [hbm:s6], s20  }
0xa4: {  	_ =	swait.ge [sflag:s22], s20  }
0xa5: {  	s5 =	ssub.s32 $0x0, s20;
	[sflag:s22] =	ssyncset.done $0x0  }
0xa6: {  	[sflag:s22] =	ssyncadd.s32 s5;
	_ =	sdelay $0x1  }
0xa7: {  	s23 =	simm.s32 $0x1B8B  }
0xa8: {  	_ =	swait.ge [sflag:s23], $0x1  }
0xa9: {  	[sflag:s23] =	ssyncset.done $0x0  }
0xaa: {  	s25 =	simm.s32 $0x1B8E;
	s24 =	sld [smem:$0x3FFE];
	[sflag:s23] =	ssyncadd.s32 $0xFFFFFFFF  }
0xab: {  	s26 =	simm.s32 $execute0_lowered;
	[smem:$0x3FD2] =	sst s25  }
0xac: {  	s6 =	sshll.u32 s26, $0x1;
	_ =	strace $0x80000046;
	[dreg:$0x1] =	wrdreg $0xFFFFFFFF  }
0xad: {  	s28 =	simm.s32 $_size_execute0_lowered;
	s4 =	sadd.s32 s4, s6;
	[dreg:$0x0] =	wrdreg $0x0  }
0xae: {  	s6 =	sshll.u32 s28, $0x1;
	[dreg:$0x2] =	wrdreg s4  }
0xaf: {  	[dreg:$0x3] =	wrdreg s6  }
0xb0: {  	[dreg:$0x4] =	wrdreg $0xC0  }
0xb1: {  	_ =	task [dreg:s8], $0x5FFFF  }
0xb2: {  	[dreg:$0x1] =	wrdreg $0xFFFFFFFF  }
0xb3: {  	[dreg:$0x0] =	wrdreg $0x60  }
0xb4: {  	[dreg:$0x2] =	wrdreg s24  }
0xb5: {  	[dreg:$0x3] =	wrdreg s17  }
0xb6: {  	[dreg:$0x4] =	wrdreg s16  }
0xb7: {  	[dreg:$0x5] =	wrdreg $0x9  }
0xb8: {  	_ =	task.clear_ibuf [dreg:s8], $0x6FFFF;
	_ =	strace $0x90000046  }
0xb9: {  	s29 =	simm.s32 $0x9;
	_ =	strace $0x80000048  }
0xba: {  	_ =	swait.ge [sflag:s29], $0x1  }
0xbb: {  	[sflag:s29] =	ssyncadd.s32 $0xFFFFFFFF  }
0xbc: {  	_ =	strace $0x90000048  }
0xbd: {  	_ =	sfence  }
0xbe: {  	s30 =	sld [smem:$0x0];
	_ =	sdelay $0x2  }
0xbf: {  	s31 =	sshll.u32 s1, $0xD;
	s1 =	sshrl.u32 s1, $0x2  }
0xc0: {  	s3 =	sand.u32 $0x4000, s31;
	s1 =	sadd.s32 s1, s30  }
0xc1: {  	s0 =	sor.u32 s3, s0;
	s1 =	sshll.u32 s1, $0x11  }
0xc2: {  	s0 =	sor.u32 s1, s0  }
0xc3: {  	s0 =	sadd.s32 $0x8F2B, s0  }
0xc4: {  	[sflag:s0] =	ssyncadd.remote.s32 $0x1  }
0xc5: {  	_ =	sfence.sel $0xFFFF  }
0xc6: {  	[dreg:$0x0] =	wrdreg $0xFFFFFFFF;
	(pc) =	sbr.abs _section_cstart, $3  }
0xc7: {  	[dreg:$0x1] =	wrdreg $0xFFFFFFFF  }
0xc8: {  	_ =	task.clear_ibuf [dreg:s8], $0x2FFFF;
	_ =	strace $0x9FFFFFFF  }
0xc9: {  	(tm) =	ssettm $0x7FFFFFFF  }
tec
execute0_lowered:
.L_overlay_start_1:
0x0: {  	(tag) =	ssettag $0x1  }
0x1: {  	s3 =	rddreg [dreg:$0x0]  }
0x2: {  	s0 =	srdreg.scid;
	s4 =	rddreg [dreg:$0x1]  }
0x3: {  	s6 =	rddreg [dreg:$0x2];
	s5 =	sand.u32 $0x1, s0  }
0x4: {  	s26 =	stileid.u32;
	s2 =	simm.s32 $0x0;
	s7 =	sshll.u32 s5, $0x4  }
0x5: {  	v3 =	vlaneseq.u32;
	v2 =	vimm.s32 $0xECA86420;
	[smem:$0x7FF] =	sst s2;
	s5 =	ssub.s32 $0x2, s5;
	s7 =	sor.u32 s26, s7  }
0x6: {  	vm0 =	vmmov $0x1f;
	vm1 =	vcmask $0xB08;
	vm2 =	vcmask $0x1310;
	_ =	strace $0x80000047;
	s28 =	sshrl.u32 s5, $0x1;
	s9 =	sshll.u32 s7, $0x2  }
0x7: {  	vm3 =	vcmask $0x1B18;
	vm4 =	vcmask $0x300;
	vm5 =	vcmask $0x2320;
	s8 =	smul.u32 $0x9C4, s7;
	s7 =	sshll.u32 s7, $0x1;
	s29 =	sadd.s32 s4, s9  }
0x8: {  	vm6 =	vcmask $0x2B28;
	vm7 =	vcmask $0x3330;
	vm8 =	vcmask $0x3B38;
	s10 =	ssub.s32 s5, s28;
	s30 =	sadd.s32 s6, s7;
	[dreg:$0x4] =	wrdreg s29  }
0x9: {  	vm9 =	vmmov $0xff;
	vm12 =	vcmask $0x1714;
	vm13 =	vcmask $0x1F1C;
	s31 =	smax.u32 s10, $0x1;
	[dreg:$0x7] =	wrdreg s30  }
0xa: {  	vm14 =	vcmask $0x2724;
	v1 =	vmul.u32 $0xFFFFFFFF, v3;
	v2 =	vunpack.c.l.s4.s8 v2;
	s8 =	sadd.s32 s8, s3;
	s0 =	sadd.s32 $0x2, s29;
	[dreg:$0x8] =	wrdreg s31  }
0xb: {  	vm15 =	vcmask $0x2F2C;
	vm10 =	vcmask $0x3734;
	v0 =	vmul.u32 $0xA, v3;
	s1 =	sadd.s32 $0x1C00, s8;
	[dreg:$0x6] =	wrdreg s0  }
0xc: {  	s12 =	simm.s32 $0x0;
	v3 =	vmul.u32 $0x2, v3;
	v1 =	vadd.s32 $0xF, v1;
	v2 =	vunpack.c.0.s8.s32 v2;
	s8 =	simm.s32 $0x1;
	[dreg:$0x5] =	wrdreg s1  }
.LBB2_1:
0xd: {  	s13 =	smul.u32 $0x625, s2;
	s0 =	rddreg [dreg:$0x5]  }
0xe: {  	[tilespmem:s2], [sflag:$0x1] =	stream.linear.gather [hbm4b:s0+s2], $0x4E20, $0x38;
	[tilespmem:$0x4E50] =	vst v63  }
0xf: {  	s13 =	sshrl.u32 s13, $0x10  }
0x10: {  	s14 =	ssub.s32 $0x0, s13  }
0x11: {  	s14 =	sand.u32 $0xFFFE, s14  }
0x12: {  	s14 =	sshrl.u32 s14, $0x1  }
0x13: {  	s13 =	sadd.s32 s13, s14  }
0x14: {  	s13 =	sand.u32 $0xFFC0, s13  }
0x15: {  	s13 =	sshrl.u32 s13, $0x6  }
0x16: {  	_ =	swait.ge [sflag:s8], $0x4E20;
	s26 =	smul.u32 $0x7D, s13  }
0x17: {  	[sflag:s8] =	ssyncset.done $0x0  }
0x18: {  	[sflag:s8] =	ssyncadd.s32 $0xFFFFB1E0;
	s14 =	ssub.s32 $0x0, s26  }
0x19: {  	v4 =	vld [tilespmem:s2+$0x0];
	s14 =	smul.u32 $0xA0, s14;
	_ =	sdelay $0x1  }
0x1a: {  	s13 =	sadd.s32 s13, s14  }
0x1b: {  	s28 =	simm.s32 $0x1;
	s13 =	sand.u32 $0xFFFF, s13  }
0x1c: {  	s29 =	smul.u32 $0x625, s28;
	v5 =	vadd.s32 s13, v0  }
0x1d: {  	(xrf1) =	vsort.dscd.msk.f32 $0xffff, v4, v5  }
0x1e: {  	s13 =	sshrl.u32 s29, $0x10  }
0x1f: {  	s30 =	ssub.s32 $0x1, s13  }
0x20: {  	s14 =	sand.u32 $0xFFFE, s30  }
0x21: {  	s14 =	sshrl.u32 s14, $0x1  }
0x22: {  	s13 =	sadd.s32 s13, s14  }
0x23: {  	s13 =	sand.u32 $0xFFC0, s13  }
0x24: {  	s31 =	sshrl.u32 s13, $0x6  }
0x25: {  	s13 =	smul.u32 $0x7D, s31;
	_ =	sdelay $0x1  }
0x26: {  	s15 =	ssub.s32 $0x1, s13;
	s13 =	simm.s32 $0x10  }
0x27: {  	v4 =	vld [tilespmem:s13+$0x0];
	s15 =	smul.u32 $0xA0, s15;
	_ =	sdelay $0x1  }
0x28: {  	s14 =	sadd.s32 s31, s15  }
0x29: {  	v5 =	vimm.f32 $-Inf;
	s14 =	sand.u32 $0xFFFF, s14;
	v6, v7, _ =	vpop (xrf1)  }
0x2a: {  	v8 =	vimm.s32 $0x0;
	v9 =	vadd.s32 s14, v0;
	s14 =	simm.s32 $0x2;
	vm11 =	vge.f32 v5, v6  }
0x2b: {  	(xrf1) =	vsort.dscd.msk.f32 $0xffff, v4, v9;
	s16 =	smul.u32 $0x625, s14;
	v4 =	vsel vm11, v5, v6;
	v5 =	vsel vm11, v8, v7  }
0x2c: {  	s15 =	simm.s32 $0x3;
	(xrf1) =	vsort.ascd.msk.f32 $0xffff, v4, v5  }
.LBB2_2:
0x2d: {  	p0 =	sne.s32 s15, $0x4E1;
	s16 =	sshrl.u32 s16, $0x10  }
0x2e: {  	s17 =	ssub.s32 s14, s16  }
0x2f: {  	s17 =	sand.u32 $0xFFFE, s17  }
0x30: {  	s17 =	sshrl.u32 s17, $0x1  }
0x31: {  	s16 =	sadd.s32 s16, s17  }
0x32: {  	s16 =	sand.u32 $0xFFC0, s16  }
0x33: {  	s16 =	sshrl.u32 s16, $0x6  }
0x34: {  	s17 =	smul.u32 $0x7D, s16;
	_ =	sdelay $0x1  }
0x35: {  	s13 =	sadd.s32 $0x10, s13;
	s17 =	ssub.s32 s14, s17;
	s14 =	smov.u32 s15  }
0x36: {  	v4 =	vld [tilespmem:s13+$0x0];
	s17 =	smul.u32 $0xA0, s17;
	_ =	sdelay $0x1  }
.Ltmp0:
0x37: {  	s16 =	sadd.s32 s16, s17;
	v5, v6, _ =	vpop (xrf1);
	(pc) =	sbr.rel @p0 .LBB2_2-.Ltmp0, $4  }
0x38: {  	s16 =	sand.u32 $0xFFFF, s16;
	v7, v8, _ =	vpop (xrf1)  }
0x39: {  	v9 =	vadd.s32 s16, v0;
	vm11 =	vge.f32 v7, v5  }
0x3a: {  	s16 =	smul.u32 $0x625, s15;
	(xrf1) =	vsort.dscd.msk.f32 $0xffff, v4, v9;
	v4 =	vsel vm11, v7, v5;
	v5 =	vsel vm11, v8, v6  }
0x3b: {  	s15 =	sadd.s32 $0x1, s15;
	(xrf1) =	vsort.ascd.msk.f32 $0xffff, v4, v5  }
0x3c: {  	s15 =	sshrl.u32 s16, $0x10  }
0x3d: {  	s16 =	ssub.s32 s14, s15  }
0x3e: {  	s16 =	sand.u32 $0xFFFE, s16  }
0x3f: {  	s16 =	sshrl.u32 s16, $0x1  }
0x40: {  	s15 =	sadd.s32 s15, s16  }
0x41: {  	s15 =	sand.u32 $0xFFC0, s15  }
0x42: {  	s15 =	sshrl.u32 s15, $0x6  }
0x43: {  	s0 =	smul.u32 $0x7D, s15;
	_ =	sdelay $0x1  }
0x44: {  	s13 =	sadd.s32 $0x10, s13;
	s1 =	ssub.s32 s14, s0  }
0x45: {  	v4 =	vld [tilespmem:s13+$0x0];
	s3 =	smul.u32 $0xA0, s1;
	_ =	sdelay $0x1  }
0x46: {  	s13 =	sadd.s32 s15, s3;
	v5, v6, _ =	vpop (xrf1)  }
0x47: {  	s13 =	sand.u32 $0xFFFF, s13;
	v7, v8, _ =	vpop (xrf1)  }
0x48: {  	v9 =	vadd.s32 s13, v0;
	vm11 =	vge.f32 v7, v5  }
0x49: {  	(xrf1) =	vsort.dscd.msk.f32 $0xffff, v4, v9;
	v4 =	vsel vm11, v7, v5;
	v5 =	vsel vm11, v8, v6  }
0x4a: {  	(xrf1) =	vsort.ascd.msk.f32 $0xffff, v4, v5;
	_ =	sdelay $0xc  }
0x4b: {  	v4, v5, _ =	vpop (xrf1)  }
0x4c: {  	v54, v53, _ =	vpop (xrf1)  }
0x4d: {  	vm11 =	vge.f32 v54, v4  }
0x4e: {  	v4 =	vsel vm11, v54, v4;
	v5 =	vsel vm11, v53, v5  }
0x4f: {  	(xrf1) =	vsort.ascd.msk.f32 $0xffff, v4, v5;
	_ =	sdelay $0xd  }
0x50: {  	v5, v4, _ =	vpop (xrf1)  }
0x51: {  	v4 =	vperm.xlane v4, v1;
	_ =	sdelay $0x1  }
0x52: {  	(v2sf) =	vpush v4, $0xD;
	_ =	sdelay $0x1  }
0x53: {  	(v2sf) =	vpush v4, $0xC;
	_ =	sdelay $0x1  }
0x54: {  	(v2sf) =	vpush v4, $0xE;
	_ =	sdelay $0x1  }
0x55: {  	(v2sf) =	vpush v4, $0xF;
	_ =	sdelay $0x1  }
0x56: {  	(v2sf) =	vpush v4, $0x9;
	_ =	sdelay $0x1  }
0x57: {  	(v2sf) =	vpush v4, $0x8;
	_ =	sdelay $0x1  }
0x58: {  	v5 =	vperm.xlane v5, v1;
	(v2sf) =	vpush v4, $0xA;
	_ =	sdelay $0x1  }
0x59: {  	(xrf0) =	vmax.scan.msk.f32 $0xffff, v5;
	(v2sf) =	vpush v4, $0xB  }
0x5a: {  	s4 =	spop (v2sf)  }
0x5b: {  	(v2sf) =	vpush v4, $0x0;
	s14 =	smulhi.u32 $0x66666667, s4;
	s13 =	sshra.s32 s4, $0x1F  }
0x5c: {  	s5 =	spop (v2sf);
	s13 =	smul.u32 $0x66666667, s13  }
0x5d: {  	(v2sf) =	vpush v4, $0x1;
	s16 =	smulhi.u32 $0x66666667, s5;
	s15 =	sshra.s32 s5, $0x1F  }
0x5e: {  	s17 =	spop (v2sf);
	s15 =	smul.u32 $0x66666667, s15  }
0x5f: {  	v55, _, _ =	vpop (xrf0);
	s18 =	smulhi.u32 $0x66666667, s17;
	s17 =	sshra.s32 s17, $0x1F  }
0x60: {  	v6 =	vbroadcast v55, $0xF;
	s19 =	spop (v2sf);
	s17 =	smul.u32 $0x66666667, s17  }
0x61: {  	(v2sf) =	vpush v4, $0x2;
	s20 =	smulhi.u32 $0x66666667, s19;
	s19 =	sshra.s32 s19, $0x1F  }
0x62: {  	v5 =	vsub.f32 v5, v6;
	(v2sf) =	vpush v4, $0x3;
	s21 =	spop (v2sf);
	s22 =	smul.u32 $0x66666667, s19  }
0x63: {  	(v2sf) =	vpush v4, $0x4;
	s23 =	smulhi.u32 $0x66666667, s21;
	s6 =	sshra.s32 s21, $0x1F  }
0x64: {  	v5 =	vmul.f32 $1.442695020e+00, v5;
	(v2sf) =	vpush v4, $0x5;
	s7 =	spop (v2sf);
	s24 =	smul.u32 $0x66666667, s6  }
0x65: {  	(v2sf) =	vpush v4, $0x6;
	s25 =	smulhi.u32 $0x66666667, s7;
	s9 =	sshra.s32 s7, $0x1F  }
0x66: {  	(erf) = vpow2.f32 v5;
	(v2sf) =	vpush v4, $0x7;
	s10 =	spop (v2sf);
	s28 =	smul.u32 $0x66666667, s9  }
0x67: {  	s29 =	smulhi.u32 $0x66666667, s10;
	s21 =	sshra.s32 s10, $0x1F  }
0x68: {  	s26 =	spop (v2sf);
	s31 =	smul.u32 $0x66666667, s21  }
0x69: {  	s1 =	smulhi.u32 $0x66666667, s26;
	s26 =	sshra.s32 s26, $0x1F  }
0x6a: {  	s11 =	spop (v2sf);
	s26 =	smul.u32 $0x66666667, s26  }
0x6b: {  	s10 =	smulhi.u32 $0x66666667, s11;
	s19 =	sshra.s32 s11, $0x1F  }
0x6c: {  	s30 =	spop (v2sf);
	s4 =	smul.u32 $0x66666667, s19  }
0x6d: {  	s14 =	sadd.s32 s13, s14;
	s13 =	sadd.s32 s22, s20;
	s5 =	smulhi.u32 $0x66666667, s30  }
0x6e: {  	s7 =	sshra.s32 s30, $0x1F;
	s19 =	sadd.s32 s15, s16;
	s15 =	sadd.s32 s17, s18  }
0x6f: {  	v5 =	vpop (erf);
	s18 =	sadd.s32 s24, s23;
	s16 =	sadd.s32 s31, s29;
	s6 =	smul.u32 $0x66666667, s7  }
0x70: {  	v5 =	vnsel vm0, $0x0, v5;
	s23 =	sshrl.u32 s19, $0x1F;
	s17 =	sadd.s32 s26, s1;
	s3 =	spop (v2sf)  }
0x71: {  	(xrf2) =	vadd.scan.msk.f32 $0xffff, v5;
	s0 =	spop (v2sf);
	s7 =	smulhi.u32 $0x66666667, s3;
	s21 =	sshra.s32 s3, $0x1F  }
0x72: {  	s26 =	sshrl.u32 s18, $0x1F;
	s9 =	spop (v2sf);
	s20 =	smul.u32 $0x66666667, s21  }
0x73: {  	s4 =	sadd.s32 s4, s10;
	s22 =	smulhi.u32 $0x66666667, s0;
	s11 =	spop (v2sf)  }
0x74: {  	s24 =	smulhi.u32 $0x66666667, s9;
	s9 =	sshra.s32 s9, $0x1F;
	s30 =	spop (v2sf)  }
0x75: {  	s21 =	sadd.s32 s28, s25;
	s28 =	smul.u32 $0x66666667, s9;
	s29 =	spop (v2sf)  }
0x76: {  	s5 =	sadd.s32 s6, s5;
	s31 =	smulhi.u32 $0x66666667, s29;
	s9 =	sshra.s32 s29, $0x1F  }
0x77: {  	s6 =	sshrl.u32 s15, $0x1F;
	s0 =	sshra.s32 s0, $0x1F;
	s9 =	smul.u32 $0x66666667, s9  }
0x78: {  	v56 =	vmov s23;
	s23 =	sshrl.u32 s5, $0x1F;
	s3 =	sshrl.u32 s14, $0x1F;
	s0 =	smul.u32 $0x66666667, s0  }
0x79: {  	s25 =	sshrl.u32 s13, $0x1F;
	s7 =	sadd.s32 s20, s7;
	s20 =	sadd.s32 s9, s31  }
0x7a: {  	s0 =	sadd.s32 s0, s22;
	s22 =	sadd.s32 s28, s24;
	s10 =	sshra.s32 s20, $0x1F  }
0x7b: {  	vm11 =	vcmask $0x704;
	v6 =	vsel vm1, s3, v56;
	v10, _, _ =	vpop (xrf2);
	s24 =	smulhi.u32 $0x66666667, s11;
	s28 =	sshra.s32 s11, $0x1F;
	s31 =	sshra.s32 s4, $0x2;
	v57 =	vmov s10  }
0x7c: {  	v6 =	vsel vm2, s6, v6;
	v10 =	vbroadcast v10, $0xF;
	s29 =	sshrl.u32 s4, $0x1F;
	s11 =	sshrl.u32 s21, $0x1F;
	s4 =	sshra.s32 s4, $0x1F;
	v7 =	vsel vm4, s31, v57  }
0x7d: {  	s6 =	sshrl.u32 s0, $0x1F;
	v58 =	vmov s29;
	v59 =	vmov s11;
	s9 =	smul.u32 $0x66666667, s28;
	s28 =	sshra.s32 s5, $0x2;
	v7 =	vsel vm11, s4, v7  }
0x7e: {  	s29 =	smulhi.u32 $0x66666667, s30;
	s11 =	sshra.s32 s7, $0x2;
	v8 =	vnsel vm4, $0x0, v58;
	s5 =	sshra.s32 s5, $0x1F;
	vm11 =	vcmask $0xF0C;
	v7 =	vsel vm1, s28, v7  }
0x7f: {  	v6 =	vsel vm3, s25, v6;
	v8 =	vsel vm1, s23, v8;
	s23 =	sshrl.u32 s16, $0x1F;
	s1 =	sadd.s32 s9, s24;
	s24 =	sshrl.u32 s7, $0x1F;
	v7 =	vsel vm11, s5, v7  }
0x80: {  	(erf) = vrcp.f32 v10;
	s7 =	sshra.s32 s7, $0x1F;
	s31 =	sshra.s32 s30, $0x1F;
	v8 =	vsel vm2, s24, v8;
	s24 =	sshrl.u32 s22, $0x1F;
	v7 =	vsel vm2, s11, v7  }
0x81: {  	v9 =	vsel vm1, s26, v59;
	s26 =	sshrl.u32 s1, $0x1F;
	s10 =	smul.u32 $0x66666667, s31;
	v8 =	vsel vm3, s6, v8;
	s28 =	sshra.s32 s0, $0x2;
	v7 =	vsel vm12, s7, v7  }
0x82: {  	v9 =	vsel vm2, s23, v9;
	s31 =	sshra.s32 s19, $0x2;
	s6 =	sshra.s32 s14, $0x2;
	v8 =	vsel vm5, s24, v8;
	s0 =	sshra.s32 s0, $0x1F;
	v7 =	vsel vm3, s28, v7  }
0x83: {  	v11 =	vmov s31;
	s25 =	sadd.s32 s10, s29;
	v8 =	vsel vm6, s26, v8;
	s29 =	sshrl.u32 s17, $0x1F;
	s5 =	sshra.s32 s22, $0x2;
	v7 =	vsel vm13, s0, v7  }
0x84: {  	s9 =	sshra.s32 s22, $0x1F;
	v60 =	vsel vm1, s6, v11;
	s10 =	sshra.s32 s15, $0x2;
	v9 =	vsel vm3, s29, v9;
	s7 =	sshra.s32 s21, $0x2;
	v7 =	vsel vm5, s5, v7  }
0x85: {  	s14 =	sshra.s32 s1, $0x2;
	s30 =	sshrl.u32 s25, $0x1F;
	s11 =	sshra.s32 s18, $0x2;
	v10 =	vsel vm2, s10, v60;
	v61 =	vmov s7;
	v7 =	vsel vm14, s9, v7  }
0x86: {  	s16 =	sshra.s32 s16, $0x2;
	s1 =	sshra.s32 s1, $0x1F;
	s15 =	sshra.s32 s13, $0x2;
	v8 =	vsel vm7, s30, v8;
	v11 =	vsel vm1, s11, v61;
	v7 =	vsel vm6, s14, v7  }
0x87: {  	s18 =	sshra.s32 s17, $0x2;
	s19 =	sshra.s32 s25, $0x2;
	v10 =	vsel vm3, s15, v10;
	v11 =	vsel vm2, s16, v11;
	v7 =	vsel vm15, s1, v7  }
0x88: {  	s22 =	sshra.s32 s25, $0x1F;
	v6 =	vcombine.low v9, v6;
	s21 =	sshrl.u32 s20, $0x1F;
	v11 =	vsel vm3, s18, v11;
	v7 =	vsel vm7, s19, v7  }
0x89: {  	s23 =	sshra.s32 s20, $0x2;
	v8 =	vsel vm8, s21, v8;
	v62 =	vcombine.low v11, v10;
	v7 =	vsel vm10, s22, v7  }
0x8a: {  	v6 =	vperm.xlane v6, v2;
	v8 =	vperm.xlane v8, v3;
	v7 =	vsel vm8, s23, v7  }
0x8b: {  	v9 =	vperm.xlane v62, v2;
	v7 =	vperm.xlane v7, v3;
	_ =	sdelay $0x1  }
0x8c: {  	v63 =	vpop (erf);
	v6 =	vsel vm9, v8, v6;
	v7 =	vsel vm9, v7, v9  }
0x8d: {  	v5 =	vmul.f32 v63, v5;
	v6 =	vadd.s32 v6, v7  }
0x8e: {  	v7 =	vmul.u32 $0xFFFFFFF6, v6  }
0x8f: {  	[tilespmem:$0x4E40] =	vst v5  }
0x90: {  	[tilespmem:$0x4E20] =	vst v6;
	v4 =	vadd.s32 v4, v7  }
0x91: {  	s24 =	rddreg [dreg:$0x4];
	s25 =	simm.s32 $0x4E20;
	[tilespmem:$0x4E30] =	vst v4  }
0x92: {  	[hbm4b:s24+s2] =	stream.linear.scatter [tilespmem:s25], [sflag:$0x1], $0x10, $0x38;
	[tilespmem:$0x4E50] =	vst v63  }
0x93: {  	_ =	swait.ge [sflag:s8], $0x10  }
0x94: {  	[sflag:s8] =	ssyncset.done $0x0  }
0x95: {  	s28 =	simm.s32 $0x4E30;
	s26 =	rddreg [dreg:$0x6];
	[sflag:s8] =	ssyncadd.s32 $0xFFFFFFF0  }
0x96: {  	[hbm4b:s26+s2] =	stream.linear.scatter [tilespmem:s28], [sflag:$0x1], $0x10, $0x38;
	[tilespmem:$0x4E50] =	vst v63  }
0x97: {  	_ =	swait.ge [sflag:s8], $0x10  }
0x98: {  	[sflag:s8] =	ssyncset.done $0x0  }
0x99: {  	s30 =	simm.s32 $0x4E40;
	s29 =	rddreg [dreg:$0x7];
	[sflag:s8] =	ssyncadd.s32 $0xFFFFFFF0  }
0x9a: {  	[hbm4b:s29+s2] =	stream.linear.scatter [tilespmem:s30], [sflag:$0x1], $0x10, $0x38;
	[tilespmem:$0x4E50] =	vst v63  }
0x9b: {  	_ =	swait.ge [sflag:s8], $0x10  }
0x9c: {  	s12 =	sadd.s32 $0x1, s12;
	s31 =	rddreg [dreg:$0x8]  }
0x9d: {  	p0 =	sne.s32 s12, s31  }
.Ltmp1:
0x9e: {  	_ = 	snop;
	(pc) =	sbr.rel @p0 .LBB2_1-.Ltmp1, $3  }
0x9f: {  	_ =	sdelay $0x1  }
0xa0: {  	[sflag:s8] =	ssyncset.done $0x0  }
0xa1: {  	[sflag:s8] =	ssyncadd.s32 $0xFFFFFFF0  }
0xa2: {  	_ =	sfence.sel $0x180000  }
0xa3: {  	[bflag:$0x0] =	sbarrier.arrive $0xFFFF  }
0xa4: {  	_ =	strace $0x90000047  }
0xa5: {  	s0 =	stileid.u32;
	[bflag:$0x2] =	sbarrier.arrive $0xFFFF  }
0xa6: {  	p0 =	sne.s32 s0, $0x0;
	s0 =	rddreg [dreg:$0x3]  }
0xa7: {  	s0 =	sadd.s32 @!p0 $0x100000, s0  }
0xa8: {  	[sflag:s0] =	ssyncadd.tile.s32 @!p0 $0x1;
	_ =	shalt  }
.Lfunc_end2:
_tile_overlayer_lowered:
.L_overlay_start_2:
0xa9: {  	(tag) =	ssettag $0x2  }
0xaa: {  	s0 =	rddreg [dreg:$0x0];
	s2 =	stileid.u32  }
0xab: {  	s1 =	rddreg [dreg:$0x1];
	p0 =	sne.s32 s2, $0x0  }
0xac: {  	s3 =	rddreg [dreg:$0x2];
	[bflag:$0x3] =	sbarrier.arrive $0xFFFF;
	s2 =	simm.s32 @!p0 $0x1C01  }
0xad: {  	[timem:s3], [sflag:s2] =	dma.local @!p0 [hbm:s0], s1  }
0xae: {  	s0 =	simm.s32 @!p0 $0x1  }
0xaf: {  	_ =	swait.ge @!p0 [sflag:s0], s1  }
0xb0: {  	s1 =	ssub.s32 @!p0 $0x0, s1;
	[sflag:s0] =	ssyncset.done @!p0 $0x0  }
0xb1: {  	[sflag:s0] =	ssyncadd.s32 @!p0 s1  }
0xb2: {  	[bflag:$0x3] =	sbarrier.arrive $0xFFFF  }
0xb3: {  	_ =	shalt  }

</sc_bundles>
